<compile_context>
chip_gen: v7x
topology: tpu7x:2x2x1
jax: 0.10.2.dev20260603
libtpu: 0.0.44.dev20260713+nightly
codegen_flags: <defaults>
</compile_context>

<pallas_src>
import functools

import jax
import jax.numpy as jnp
from jax import lax
from jax.experimental import pallas as pl
from jax.experimental.pallas import tpu as pltpu
from jax.experimental.pallas import tpu_sc as plsc

N = 10000
E = 320000
D = 128
H1 = 128
NP = 10240
NA = 10240
NC, NS = 2, 16
NW = NC * NS
EPW = E // NW
C = 125
NCHUNK = EPW // C
NBUF = 4
RPT = NP // NS
RPA = NA // NS
OCH = 80
NB = 10
BR = N // NB


def _deg_body(src_hbm, dst_hbm, out_hbm, outi_hbm, onesv, sidx2, didx2,
              stagev, dego_sh, degi_sh, sem, semi):
    c = lax.axis_index("c")
    s = lax.axis_index("s")
    wid = c * NS + s

    pltpu.sync_copy(src_hbm.at[wid], sidx2)
    pltpu.sync_copy(dst_hbm.at[wid], didx2)

    def _z(j, _):
        stagev[pl.ds(j * 16, 16)] = jnp.zeros((16,), jnp.float32)
        return 0
    lax.fori_loop(0, RPT // 16, _z, 0)
    pltpu.sync_copy(stagev, dego_sh.at[pl.ds(s * RPT, RPT)])
    pltpu.sync_copy(stagev, degi_sh.at[pl.ds(s * RPT, RPT)])

    def _o(j, _):
        onesv[pl.ds(j * 16, 16)] = jnp.ones((16,), jnp.float32)
        return 0
    lax.fori_loop(0, 8, _o, 0)
    plsc.subcore_barrier()

    ones = onesv.at[pl.ds(0, C)]

    def _fire(j, _):
        pltpu.async_copy(ones, dego_sh.at[sidx2.at[j]], sem, add=True)
        pltpu.async_copy(ones, degi_sh.at[didx2.at[j]], semi, add=True)
        return 0
    lax.fori_loop(0, NCHUNK, _fire, 0)

    def _drain(j, _):
        pltpu.make_async_copy(ones, dego_sh.at[sidx2.at[0]], sem).wait()
        pltpu.make_async_copy(ones, degi_sh.at[didx2.at[0]], semi).wait()
        return 0
    lax.fori_loop(0, NCHUNK, _drain, 0)
    plsc.subcore_barrier()

    pltpu.sync_copy(dego_sh.at[pl.ds(s * RPT, RPT)], stagev)
    pltpu.sync_copy(stagev, out_hbm.at[c, s])
    pltpu.sync_copy(degi_sh.at[pl.ds(s * RPT, RPT)], stagev)
    pltpu.sync_copy(stagev, outi_hbm.at[c, s])


_deg_kernel = functools.partial(
    pl.kernel,
    out_type=[jax.ShapeDtypeStruct((NC, NS, RPT), jnp.float32),
              jax.ShapeDtypeStruct((NC, NS, RPT), jnp.float32)],
    mesh=plsc.VectorSubcoreMesh(core_axis_name="c", subcore_axis_name="s",
                                num_cores=NC, num_subcores=NS),
    scratch_types=[
        pltpu.VMEM((128,), jnp.float32),
        pltpu.VMEM((NCHUNK, C), jnp.int32),
        pltpu.VMEM((NCHUNK, C), jnp.int32),
        pltpu.VMEM((RPT,), jnp.float32),
        pltpu.VMEM_SHARED((NP,), jnp.float32),
        pltpu.VMEM_SHARED((NP,), jnp.float32),
        pltpu.SemaphoreType.DMA,
        pltpu.SemaphoreType.DMA,
    ],
)(_deg_body)


def _scatter_body(g_hbm, src_hbm, dst_hbm, out_hbm,
                  sidxa, sidxb, didx2, rows0, rows1,
                  acc_sh, sem0, sem1, semi0, semi1):
    c = lax.axis_index("c")
    s = lax.axis_index("s")
    wid = c * NS + s

    pltpu.sync_copy(dst_hbm.at[wid], didx2)

    def _z(j, _):
        r = j // (D // 16)
        k = j % (D // 16)
        rows0[r, pl.ds(k * 16, 16)] = jnp.zeros((16,), jnp.float32)
        return 0
    lax.fori_loop(0, OCH * (D // 16), _z, 0)

    def _zc(r, _):
        pltpu.sync_copy(rows0.at[pl.ds(0, OCH)],
                        acc_sh.at[pl.ds(s * RPA + r * OCH, OCH)])
        return 0
    lax.fori_loop(0, RPA // OCH, _zc, 0)
    plsc.subcore_barrier()

    def _idxload(j, buf, sem):
        return pltpu.make_async_copy(src_hbm.at[wid, j], buf, sem)

    def _gather(buf, rows, sem):
        return pltpu.make_async_copy(g_hbm.at[buf], rows, sem)

    _idxload(0, sidxa, semi0).start()
    _idxload(1, sidxb, semi1).start()
    _idxload(0, sidxa, semi0).wait()
    _gather(sidxa, rows0, sem0).start()

    def _loop(i, _):
        j0 = 2 * i
        _idxload(j0 + 1, sidxb, semi1).wait()
        _gather(sidxb, rows1, sem1).start()
        _gather(sidxa, rows0, sem0).wait()

        @pl.when(j0 + 2 < NCHUNK)
        def _():
            _idxload(j0 + 2, sidxa, semi0).start()

        pltpu.sync_copy(rows0, acc_sh.at[didx2.at[j0]], add=True)

        @pl.when(j0 + 2 < NCHUNK)
        def _():
            _idxload(j0 + 2, sidxa, semi0).wait()
            _gather(sidxa, rows0, sem0).start()

        _gather(sidxb, rows1, sem1).wait()

        @pl.when(j0 + 3 < NCHUNK)
        def _():
            _idxload(j0 + 3, sidxb, semi1).start()

        pltpu.sync_copy(rows1, acc_sh.at[didx2.at[j0 + 1]], add=True)
        return 0
    lax.fori_loop(0, NCHUNK // 2, _loop, 0)

    plsc.subcore_barrier()

    def _out(r, _):
        row0 = s * RPA + r * OCH
        pltpu.sync_copy(acc_sh.at[pl.ds(row0, OCH)],
                        out_hbm.at[c, pl.ds(row0, OCH)])
        return 0
    lax.fori_loop(0, RPA // OCH, _out, 0)


_scatter_kernel = functools.partial(
    pl.kernel,
    out_type=jax.ShapeDtypeStruct((NC, NA, D), jnp.float32),
    mesh=plsc.VectorSubcoreMesh(core_axis_name="c", subcore_axis_name="s",
                                num_cores=NC, num_subcores=NS),
    scratch_types=[
        pltpu.VMEM((C,), jnp.int32),
        pltpu.VMEM((C,), jnp.int32),
        pltpu.VMEM((NCHUNK, C), jnp.int32),
        pltpu.VMEM((C, D), jnp.float32),
        pltpu.VMEM((C, D), jnp.float32),
        pltpu.VMEM_SHARED((NA, D), jnp.float32),
        pltpu.SemaphoreType.DMA,
        pltpu.SemaphoreType.DMA,
        pltpu.SemaphoreType.DMA,
        pltpu.SemaphoreType.DMA,
    ],
)(_scatter_body)


def _g_body(deg_ref, x_ref, wc_ref, g_ref):
    deg_out = deg_ref[:, 0] + deg_ref[:, 1] + 1.0
    norm_src = lax.rsqrt(deg_out)
    h = jnp.dot(x_ref[...], wc_ref[...], preferred_element_type=jnp.float32)
    g_ref[...] = h * norm_src[:, None]


def _g_call(degT, x, Wc):
    return pl.pallas_call(
        _g_body,
        grid=(NB,),
        in_specs=[
            pl.BlockSpec((BR, NC), lambda i: (i, 0)),
            pl.BlockSpec((BR, D), lambda i: (i, 0)),
            pl.BlockSpec((D, H1), lambda i: (0, 0)),
        ],
        out_specs=pl.BlockSpec((BR, H1), lambda i: (i, 0)),
        out_shape=jax.ShapeDtypeStruct((N, H1), jnp.float32),
    )(degT, x, Wc)


def _fin_body(deg_ref, s_ref, g_ref, bc_ref, w1_ref, b1_ref, w2_ref, b2_ref,
              w3_ref, b3_ref, out_ref, acc):
    i = pl.program_id(0)
    deg_in = deg_ref[:, 0] + deg_ref[:, 1] + 1.0
    norm_dst = lax.rsqrt(deg_in)
    rows = s_ref[0] + s_ref[1] + g_ref[...]
    a = jnp.maximum(rows * norm_dst[:, None] + bc_ref[...][None, :], 0.0)
    bm = jnp.max(a, axis=0, keepdims=True)

    @pl.when(i == 0)
    def _():
        acc[...] = jnp.zeros_like(acc)

    acc[...] = jnp.maximum(acc[...], jnp.broadcast_to(bm, acc.shape))

    @pl.when(i == NB - 1)
    def _():
        hg = acc[0:1, :]
        a1 = jnp.maximum(
            jnp.dot(hg, w1_ref[...], preferred_element_type=jnp.float32)
            + b1_ref[...][None, :], 0.0)
        a2 = jnp.maximum(
            jnp.dot(a1, w2_ref[...], preferred_element_type=jnp.float32)
            + b2_ref[...][None, :], 0.0)
        out_ref[...] = (
            jnp.dot(a2, w3_ref[...], preferred_element_type=jnp.float32)
            + b3_ref[...][None, :])


def _fin_call(degT, S, g, bc, W1, b1, W2, b2, W3, b3):
    return pl.pallas_call(
        _fin_body,
        grid=(NB,),
        in_specs=[
            pl.BlockSpec((BR, NC), lambda i: (i, 0)),
            pl.BlockSpec((NC, BR, D), lambda i: (0, i, 0)),
            pl.BlockSpec((BR, H1), lambda i: (i, 0)),
            pl.BlockSpec((H1,), lambda i: (0,)),
            pl.BlockSpec((H1, 256), lambda i: (0, 0)),
            pl.BlockSpec((256,), lambda i: (0,)),
            pl.BlockSpec((256, 128), lambda i: (0, 0)),
            pl.BlockSpec((128,), lambda i: (0,)),
            pl.BlockSpec((128, 10), lambda i: (0, 0)),
            pl.BlockSpec((10,), lambda i: (0,)),
        ],
        out_specs=pl.BlockSpec((1, 10), lambda i: (0, 0)),
        out_shape=jax.ShapeDtypeStruct((1, 10), jnp.float32),
        scratch_shapes=[pltpu.VMEM((8, H1), jnp.float32)],
    )(degT, S, g, bc, W1, b1, W2, b2, W3, b3)


def kernel(x, edge_index, Wc, bc, W1, b1, W2, b2, W3, b3):
    src = edge_index[0]
    dst = edge_index[1]
    src3 = src.reshape(NW, NCHUNK, C)
    dst3 = dst.reshape(NW, NCHUNK, C)
    dego, degi = _deg_kernel(src3, dst3)
    degoT = dego.reshape(NC, NP).transpose(1, 0)
    degiT = degi.reshape(NC, NP).transpose(1, 0)
    g = _g_call(degoT, x, Wc)
    S = _scatter_kernel(g, src3, dst3)
    out = _fin_call(degiT, S, g, bc, W1, b1, W2, b2, W3, b3)
    return jnp.squeeze(out)

# --- scband reference (transcript-rebuilt; emitter-appended) ---
"""Pipeline reference for scband-model-nn1-layer-7834020348010 (READ-ONLY COPY).

The authoritative reference and input builder live on the scoring server;
editing this copy changes nothing except your own understanding.
"""

import jax, jax.numpy as jnp
import numpy as np

N, E, D, H1, F1, F2, OUT = 10000, 320000, 128, 128, 256, 128, 10

def _xavier(key, shape):
    fan_in, fan_out = shape[0], shape[1]
    a = (6.0 / (fan_in + fan_out)) ** 0.5
    return jax.random.uniform(key, shape, dtype=jnp.float32, minval=-a, maxval=a)

def setup_inputs(seed: int = 0) -> dict:
    key = jax.random.key(seed)
    ks = jax.random.split(key, 10)
    x = jax.random.normal(ks[0], (N, D), dtype=jnp.float32)
    edge_index = jax.random.randint(ks[1], (2, E), 0, N, dtype=jnp.int32)
    Wc = _xavier(ks[2], (D, H1))
    bc = jnp.zeros((H1,), dtype=jnp.float32)
    W1 = _xavier(ks[3], (H1, F1))
    b1 = jnp.zeros((F1,), dtype=jnp.float32)
    W2 = _xavier(ks[4], (F1, F2))
    b2 = jnp.zeros((F2,), dtype=jnp.float32)
    W3 = _xavier(ks[5], (F2, OUT))
    b3 = jnp.zeros((OUT,), dtype=jnp.float32)
    return {"x": x, "edge_index": edge_index, "Wc": Wc, "bc": bc, "W1": W1, "b1": b1, "W2": W2, "b2": b2, "W3": W3, "b3": b3}

def reference(x, edge_index, Wc, bc, W1, b1, W2, b2, W3, b3):
    n = x.shape[0]
    loops = jnp.arange(n, dtype=edge_index.dtype)
    src = jnp.concatenate([edge_index[0], loops])
    dst = jnp.concatenate([edge_index[1], loops])
    ones = jnp.ones_like(src, dtype=x.dtype)
    deg_out = jax.ops.segment_sum(ones, src, num_segments=n)
    deg_in = jax.ops.segment_sum(ones, dst, num_segments=n)
    norm_src = jnp.where(deg_out > 0, deg_out ** -0.5, 0.0)
    norm_dst = jnp.where(deg_in > 0, deg_in ** -0.5, 0.0)
    # DGL GraphConv (norm='both'): D_in^{-1/2} A D_out^{-1/2} X W + b
    h = x @ Wc
    msg = h[src] * norm_src[src][:, None]
    agg = jax.ops.segment_sum(msg, dst, num_segments=n) * norm_dst[:, None] + bc
    h = jax.nn.relu(agg)
    # dgl.max_nodes readout over the single graph -> [1, H1]
    hg = jnp.max(h, axis=0, keepdims=True)
    a = jax.nn.relu(hg @ W1 + b1)
    a = jax.nn.relu(a @ W2 + b2)
    a = a @ W3 + b3
    # torch.cat over the single-graph list then .squeeze()
    return jnp.squeeze(a)

if __name__ == "__main__":
    import jax
    _d = setup_inputs()
    print(jax.jit(kernel)(*tuple(_d.values())))

</pallas_src>

<mosaic_0001>
#map = affine_map<(d0, d1) -> (0, 0, 0)>
module attributes {stable_mosaic.version = 14 : i64} {
  func.func @_deg_body(%arg0: i32, %arg1: i32, %arg2: memref<32x80x125xi32, #tpu.memory_space<hbm>>, %arg3: memref<32x80x125xi32, #tpu.memory_space<hbm>>, %arg4: memref<2x16x640xf32, #tpu.memory_space<hbm>>, %arg5: memref<2x16x640xf32, #tpu.memory_space<hbm>>, %arg6: memref<128xf32, #tpu.memory_space<vmem>>, %arg7: memref<80x125xi32, #tpu.memory_space<vmem>>, %arg8: memref<80x125xi32, #tpu.memory_space<vmem>>, %arg9: memref<640xf32, #tpu.memory_space<vmem>>, %arg10: memref<10240xf32, #tpu.memory_space<vmem_shared>>, %arg11: memref<10240xf32, #tpu.memory_space<vmem_shared>>, %arg12: memref<!tpu.dma_semaphore, #tpu.memory_space<semaphore_mem>>, %arg13: memref<!tpu.dma_semaphore, #tpu.memory_space<semaphore_mem>>) attributes {dimension_semantics = [#tpu.dimension_semantics<core_parallel>, #tpu.dimension_semantics<subcore_parallel>], iteration_bounds = array<i64: 2, 16>, scalar_prefetch = 0 : i64, scratch_operands = 8 : i64, tpu.core_type = #tpu.core_type<sc_vector_subcore>, window_params = [{transform_indices = #map}, {transform_indices = #map}, {transform_indices = #map}, {transform_indices = #map}]} {
    %mul3A = arith.constant 16 : i32
    %mul3A_0 = arith.muli %arg0, %mul3A : i32
    %add3A = arith.addi %mul3A_0, %arg1 : i32
    "tpu.region"() ({
      %run_scoped3A = tpu.sem_alloc : memref<!tpu.dma_semaphore, #tpu.memory_space<semaphore_mem>>
      %dma_start3A = arith.constant 0 : i32
      %dma_start3A_37 = arith.constant 0 : i32
      %dma_start3A_38 = tpu.memref_slice %arg2[%add3A, %dma_start3A, %dma_start3A_37] : memref<32x80x125xi32, #tpu.memory_space<hbm>> -> memref<1x80x125xi32, #tpu.memory_space<hbm>>
      %dma_start3A_39 = tpu.memref_squeeze %dma_start3A_38 : memref<1x80x125xi32, #tpu.memory_space<hbm>> -> memref<80x125xi32, #tpu.memory_space<hbm>>
      %dma_start3A_40 = arith.constant 0 : i32
      %dma_start3A_41 = arith.constant 0 : i32
      %dma_start3A_42 = tpu.memref_slice %arg2[%add3A, %dma_start3A_40, %dma_start3A_41] : memref<32x80x125xi32, #tpu.memory_space<hbm>> -> memref<1x80x125xi32, #tpu.memory_space<hbm>>
      %dma_start3A_43 = tpu.memref_squeeze %dma_start3A_42 : memref<1x80x125xi32, #tpu.memory_space<hbm>> -> memref<80x125xi32, #tpu.memory_space<hbm>>
      tpu.enqueue_dma source(%dma_start3A_43 : memref<80x125xi32, #tpu.memory_space<hbm>>) target(%arg7 : memref<80x125xi32, #tpu.memory_space<vmem>>) target_semaphore(%run_scoped3A : memref<!tpu.dma_semaphore, #tpu.memory_space<semaphore_mem>>)
      %dma_wait3A = arith.constant 0 : i32
      %dma_wait3A_44 = arith.constant 0 : i32
      %dma_wait3A_45 = tpu.memref_slice %arg2[%add3A, %dma_wait3A, %dma_wait3A_44] : memref<32x80x125xi32, #tpu.memory_space<hbm>> -> memref<1x80x125xi32, #tpu.memory_space<hbm>>
      %dma_wait3A_46 = tpu.memref_squeeze %dma_wait3A_45 : memref<1x80x125xi32, #tpu.memory_space<hbm>> -> memref<80x125xi32, #tpu.memory_space<hbm>>
      %dma_wait3A_47 = arith.constant 0 : i32
      %dma_wait3A_48 = arith.constant 0 : i32
      %dma_wait3A_49 = tpu.memref_slice %arg2[%add3A, %dma_wait3A_47, %dma_wait3A_48] : memref<32x80x125xi32, #tpu.memory_space<hbm>> -> memref<1x80x125xi32, #tpu.memory_space<hbm>>
      %dma_wait3A_50 = tpu.memref_squeeze %dma_wait3A_49 : memref<1x80x125xi32, #tpu.memory_space<hbm>> -> memref<80x125xi32, #tpu.memory_space<hbm>>
      tpu.wait_dma2 semaphore(%run_scoped3A : memref<!tpu.dma_semaphore, #tpu.memory_space<semaphore_mem>>) src(%dma_wait3A_50 : memref<80x125xi32, #tpu.memory_space<hbm>>) dst(%arg7 : memref<80x125xi32, #tpu.memory_space<vmem>>)
      tpu.yield
    }) : () -> ()
    "tpu.region"() ({
      %run_scoped3A = tpu.sem_alloc : memref<!tpu.dma_semaphore, #tpu.memory_space<semaphore_mem>>
      %dma_start3A = arith.constant 0 : i32
      %dma_start3A_37 = arith.constant 0 : i32
      %dma_start3A_38 = tpu.memref_slice %arg3[%add3A, %dma_start3A, %dma_start3A_37] : memref<32x80x125xi32, #tpu.memory_space<hbm>> -> memref<1x80x125xi32, #tpu.memory_space<hbm>>
      %dma_start3A_39 = tpu.memref_squeeze %dma_start3A_38 : memref<1x80x125xi32, #tpu.memory_space<hbm>> -> memref<80x125xi32, #tpu.memory_space<hbm>>
      %dma_start3A_40 = arith.constant 0 : i32
      %dma_start3A_41 = arith.constant 0 : i32
      %dma_start3A_42 = tpu.memref_slice %arg3[%add3A, %dma_start3A_40, %dma_start3A_41] : memref<32x80x125xi32, #tpu.memory_space<hbm>> -> memref<1x80x125xi32, #tpu.memory_space<hbm>>
      %dma_start3A_43 = tpu.memref_squeeze %dma_start3A_42 : memref<1x80x125xi32, #tpu.memory_space<hbm>> -> memref<80x125xi32, #tpu.memory_space<hbm>>
      tpu.enqueue_dma source(%dma_start3A_43 : memref<80x125xi32, #tpu.memory_space<hbm>>) target(%arg8 : memref<80x125xi32, #tpu.memory_space<vmem>>) target_semaphore(%run_scoped3A : memref<!tpu.dma_semaphore, #tpu.memory_space<semaphore_mem>>)
      %dma_wait3A = arith.constant 0 : i32
      %dma_wait3A_44 = arith.constant 0 : i32
      %dma_wait3A_45 = tpu.memref_slice %arg3[%add3A, %dma_wait3A, %dma_wait3A_44] : memref<32x80x125xi32, #tpu.memory_space<hbm>> -> memref<1x80x125xi32, #tpu.memory_space<hbm>>
      %dma_wait3A_46 = tpu.memref_squeeze %dma_wait3A_45 : memref<1x80x125xi32, #tpu.memory_space<hbm>> -> memref<80x125xi32, #tpu.memory_space<hbm>>
      %dma_wait3A_47 = arith.constant 0 : i32
      %dma_wait3A_48 = arith.constant 0 : i32
      %dma_wait3A_49 = tpu.memref_slice %arg3[%add3A, %dma_wait3A_47, %dma_wait3A_48] : memref<32x80x125xi32, #tpu.memory_space<hbm>> -> memref<1x80x125xi32, #tpu.memory_space<hbm>>
      %dma_wait3A_50 = tpu.memref_squeeze %dma_wait3A_49 : memref<1x80x125xi32, #tpu.memory_space<hbm>> -> memref<80x125xi32, #tpu.memory_space<hbm>>
      tpu.wait_dma2 semaphore(%run_scoped3A : memref<!tpu.dma_semaphore, #tpu.memory_space<semaphore_mem>>) src(%dma_wait3A_50 : memref<80x125xi32, #tpu.memory_space<hbm>>) dst(%arg8 : memref<80x125xi32, #tpu.memory_space<vmem>>)
      tpu.yield
    }) : () -> ()
    %scan3A = arith.constant 0 : i32
    %scan3A_1 = arith.constant 0 : i32
    %scan3A_2 = arith.constant 40 : i32
    %scan3A_3 = arith.addi %scan3A_1, %scan3A_2 : i32
    %scan3A_4 = arith.constant 1 : i32
    %scan3A_5 = scf.for %scan3A_37 = %scan3A_1 to %scan3A_3 step %scan3A_4 iter_args(%scan3A_38 = %scan3A) -> (i32)  : i32 {
      %broadcast_in_dim3A = arith.constant 0.000000e+00 : f32
      %broadcast_in_dim3A_39 = vector.broadcast %broadcast_in_dim3A : f32 to vector<16xf32>
      %mul3A_40 = arith.constant 16 : i32
      %mul3A_41 = arith.muli %scan3A_37, %mul3A_40 : i32
      %swap3A = arith.index_cast %mul3A_41 : i32 to index
      %swap3A_42 = tpu.vector_load %arg9[%swap3A] {strides = array<i32>} : memref<640xf32, #tpu.memory_space<vmem>>, vector<16xf32>,
      %swap3A_43 = vector.shape_cast %swap3A_42 : vector<16xf32> to vector<16xf32>
      %swap3A_44 = vector.shape_cast %broadcast_in_dim3A_39 : vector<16xf32> to vector<16xf32>
      tpu.vector_store %arg9[%swap3A], %swap3A_44 {strides = array<i32>} : memref<640xf32, #tpu.memory_space<vmem>>, vector<16xf32>,
      %scan3A_45 = arith.constant 0 : i32
      scf.yield %scan3A_45 : i32
    }
    %scan3A_6 = arith.constant 40 : i32
    %mul3A_7 = arith.constant 640 : i32
    %mul3A_8 = arith.muli %arg1, %mul3A_7 : i32
    "tpu.region"() ({
      %run_scoped3A = tpu.sem_alloc : memref<!tpu.dma_semaphore, #tpu.memory_space<semaphore_mem>>
      %dma_start3A = tpu.memref_slice %arg10[%mul3A_8] : memref<10240xf32, #tpu.memory_space<vmem_shared>> -> memref<640xf32, #tpu.memory_space<vmem_shared>>
      %dma_start3A_37 = tpu.memref_slice %arg10[%mul3A_8] : memref<10240xf32, #tpu.memory_space<vmem_shared>> -> memref<640xf32, #tpu.memory_space<vmem_shared>>
      tpu.enqueue_dma source(%arg9 : memref<640xf32, #tpu.memory_space<vmem>>) target(%dma_start3A_37 : memref<640xf32, #tpu.memory_space<vmem_shared>>) target_semaphore(%run_scoped3A : memref<!tpu.dma_semaphore, #tpu.memory_space<semaphore_mem>>)
      %dma_wait3A = tpu.memref_slice %arg10[%mul3A_8] : memref<10240xf32, #tpu.memory_space<vmem_shared>> -> memref<640xf32, #tpu.memory_space<vmem_shared>>
      %dma_wait3A_38 = tpu.memref_slice %arg10[%mul3A_8] : memref<10240xf32, #tpu.memory_space<vmem_shared>> -> memref<640xf32, #tpu.memory_space<vmem_shared>>
      tpu.wait_dma2 semaphore(%run_scoped3A : memref<!tpu.dma_semaphore, #tpu.memory_space<semaphore_mem>>) src(%arg9 : memref<640xf32, #tpu.memory_space<vmem>>) dst(%dma_wait3A_38 : memref<640xf32, #tpu.memory_space<vmem_shared>>)
      tpu.yield
    }) : () -> ()
    %mul3A_9 = arith.constant 640 : i32
    %mul3A_10 = arith.muli %arg1, %mul3A_9 : i32
    "tpu.region"() ({
      %run_scoped3A = tpu.sem_alloc : memref<!tpu.dma_semaphore, #tpu.memory_space<semaphore_mem>>
      %dma_start3A = tpu.memref_slice %arg11[%mul3A_10] : memref<10240xf32, #tpu.memory_space<vmem_shared>> -> memref<640xf32, #tpu.memory_space<vmem_shared>>
      %dma_start3A_37 = tpu.memref_slice %arg11[%mul3A_10] : memref<10240xf32, #tpu.memory_space<vmem_shared>> -> memref<640xf32, #tpu.memory_space<vmem_shared>>
      tpu.enqueue_dma source(%arg9 : memref<640xf32, #tpu.memory_space<vmem>>) target(%dma_start3A_37 : memref<640xf32, #tpu.memory_space<vmem_shared>>) target_semaphore(%run_scoped3A : memref<!tpu.dma_semaphore, #tpu.memory_space<semaphore_mem>>)
      %dma_wait3A = tpu.memref_slice %arg11[%mul3A_10] : memref<10240xf32, #tpu.memory_space<vmem_shared>> -> memref<640xf32, #tpu.memory_space<vmem_shared>>
      %dma_wait3A_38 = tpu.memref_slice %arg11[%mul3A_10] : memref<10240xf32, #tpu.memory_space<vmem_shared>> -> memref<640xf32, #tpu.memory_space<vmem_shared>>
      tpu.wait_dma2 semaphore(%run_scoped3A : memref<!tpu.dma_semaphore, #tpu.memory_space<semaphore_mem>>) src(%arg9 : memref<640xf32, #tpu.memory_space<vmem>>) dst(%dma_wait3A_38 : memref<640xf32, #tpu.memory_space<vmem_shared>>)
      tpu.yield
    }) : () -> ()
    %scan3A_11 = arith.constant 0 : i32
    %scan3A_12 = arith.constant 0 : i32
    %scan3A_13 = arith.constant 8 : i32
    %scan3A_14 = arith.addi %scan3A_12, %scan3A_13 : i32
    %scan3A_15 = arith.constant 1 : i32
    %scan3A_16 = scf.for %scan3A_37 = %scan3A_12 to %scan3A_14 step %scan3A_15 iter_args(%scan3A_38 = %scan3A_11) -> (i32)  : i32 {
      %broadcast_in_dim3A = arith.constant 1.000000e+00 : f32
      %broadcast_in_dim3A_39 = vector.broadcast %broadcast_in_dim3A : f32 to vector<16xf32>
      %mul3A_40 = arith.constant 16 : i32
      %mul3A_41 = arith.muli %scan3A_37, %mul3A_40 : i32
      %swap3A = arith.index_cast %mul3A_41 : i32 to index
      %swap3A_42 = tpu.vector_load %arg6[%swap3A] {strides = array<i32>} : memref<128xf32, #tpu.memory_space<vmem>>, vector<16xf32>,
      %swap3A_43 = vector.shape_cast %swap3A_42 : vector<16xf32> to vector<16xf32>
      %swap3A_44 = vector.shape_cast %broadcast_in_dim3A_39 : vector<16xf32> to vector<16xf32>
      tpu.vector_store %arg6[%swap3A], %swap3A_44 {strides = array<i32>} : memref<128xf32, #tpu.memory_space<vmem>>, vector<16xf32>,
      %scan3A_45 = arith.constant 0 : i32
      scf.yield %scan3A_45 : i32
    }
    %scan3A_17 = arith.constant 8 : i32
    %barrier3A = arith.constant 0 : index
    tpu.barrier barrier_id(%barrier3A)
    %scan3A_18 = arith.constant 0 : i32
    %scan3A_19 = arith.constant 0 : i32
    %scan3A_20 = arith.constant 80 : i32
    %scan3A_21 = arith.addi %scan3A_19, %scan3A_20 : i32
    %scan3A_22 = arith.constant 1 : i32
    %scan3A_23 = scf.for %scan3A_37 = %scan3A_19 to %scan3A_21 step %scan3A_22 iter_args(%scan3A_38 = %scan3A_18) -> (i32)  : i32 {
      %dma_start3A = arith.constant 0 : i32
      %dma_start3A_39 = tpu.memref_slice %arg6[%dma_start3A] : memref<128xf32, #tpu.memory_space<vmem>> -> memref<125xf32, #tpu.memory_space<vmem>>
      %dma_start3A_40 = arith.constant 0 : i32
      %dma_start3A_41 = tpu.memref_slice %arg7[%scan3A_37, %dma_start3A_40] : memref<80x125xi32, #tpu.memory_space<vmem>> -> memref<1x125xi32, #tpu.memory_space<vmem>>
      %dma_start3A_42 = tpu.memref_squeeze %dma_start3A_41 : memref<1x125xi32, #tpu.memory_space<vmem>> -> memref<125xi32, #tpu.memory_space<vmem>>
      %dma_start3A_43 = arith.constant 0 : i32
      %dma_start3A_44 = tpu.memref_slice %arg10[%dma_start3A_43] : memref<10240xf32, #tpu.memory_space<vmem_shared>> -> memref<10240xf32, #tpu.memory_space<vmem_shared>>
      tpu.enqueue_indirect_dma source(%dma_start3A_39 : memref<125xf32, #tpu.memory_space<vmem>>) target(%dma_start3A_44 : memref<10240xf32, #tpu.memory_space<vmem_shared>>) offsets(%dma_start3A_42 : memref<125xi32, #tpu.memory_space<vmem>>) semaphore(%arg12 : memref<!tpu.dma_semaphore, #tpu.memory_space<semaphore_mem>>) {add = true}
      %dma_start3A_45 = arith.constant 0 : i32
      %dma_start3A_46 = tpu.memref_slice %arg6[%dma_start3A_45] : memref<128xf32, #tpu.memory_space<vmem>> -> memref<125xf32, #tpu.memory_space<vmem>>
      %dma_start3A_47 = arith.constant 0 : i32
      %dma_start3A_48 = tpu.memref_slice %arg8[%scan3A_37, %dma_start3A_47] : memref<80x125xi32, #tpu.memory_space<vmem>> -> memref<1x125xi32, #tpu.memory_space<vmem>>
      %dma_start3A_49 = tpu.memref_squeeze %dma_start3A_48 : memref<1x125xi32, #tpu.memory_space<vmem>> -> memref<125xi32, #tpu.memory_space<vmem>>
      %dma_start3A_50 = arith.constant 0 : i32
      %dma_start3A_51 = tpu.memref_slice %arg11[%dma_start3A_50] : memref<10240xf32, #tpu.memory_space<vmem_shared>> -> memref<10240xf32, #tpu.memory_space<vmem_shared>>
      tpu.enqueue_indirect_dma source(%dma_start3A_46 : memref<125xf32, #tpu.memory_space<vmem>>) target(%dma_start3A_51 : memref<10240xf32, #tpu.memory_space<vmem_shared>>) offsets(%dma_start3A_49 : memref<125xi32, #tpu.memory_space<vmem>>) semaphore(%arg13 : memref<!tpu.dma_semaphore, #tpu.memory_space<semaphore_mem>>) {add = true}
      %scan3A_52 = arith.constant 0 : i32
      scf.yield %scan3A_52 : i32
    }
    %scan3A_24 = arith.constant 80 : i32
    %scan3A_25 = arith.constant 0 : i32
    %scan3A_26 = arith.constant 0 : i32
    %scan3A_27 = arith.constant 80 : i32
    %scan3A_28 = arith.addi %scan3A_26, %scan3A_27 : i32
    %scan3A_29 = arith.constant 1 : i32
    %scan3A_30 = scf.for %scan3A_37 = %scan3A_26 to %scan3A_28 step %scan3A_29 iter_args(%scan3A_38 = %scan3A_25) -> (i32)  : i32 {
      %dma_wait3A = arith.constant 0 : i32
      %dma_wait3A_39 = arith.constant 0 : i32
      %dma_wait3A_40 = tpu.memref_slice %arg6[%dma_wait3A_39] : memref<128xf32, #tpu.memory_space<vmem>> -> memref<125xf32, #tpu.memory_space<vmem>>
      %dma_wait3A_41 = arith.constant 0 : i32
      %dma_wait3A_42 = tpu.memref_slice %arg7[%dma_wait3A, %dma_wait3A_41] : memref<80x125xi32, #tpu.memory_space<vmem>> -> memref<1x125xi32, #tpu.memory_space<vmem>>
      %dma_wait3A_43 = tpu.memref_squeeze %dma_wait3A_42 : memref<1x125xi32, #tpu.memory_space<vmem>> -> memref<125xi32, #tpu.memory_space<vmem>>
      %dma_wait3A_44 = arith.constant 0 : i32
      %dma_wait3A_45 = tpu.memref_slice %arg10[%dma_wait3A_44] : memref<10240xf32, #tpu.memory_space<vmem_shared>> -> memref<10240xf32, #tpu.memory_space<vmem_shared>>
      tpu.wait_indirect_dma semaphore(%arg12 : memref<!tpu.dma_semaphore, #tpu.memory_space<semaphore_mem>>) src(%dma_wait3A_40 : memref<125xf32, #tpu.memory_space<vmem>>) dst(%dma_wait3A_45 : memref<10240xf32, #tpu.memory_space<vmem_shared>>)
      %dma_wait3A_46 = arith.constant 0 : i32
      %dma_wait3A_47 = arith.constant 0 : i32
      %dma_wait3A_48 = tpu.memref_slice %arg6[%dma_wait3A_47] : memref<128xf32, #tpu.memory_space<vmem>> -> memref<125xf32, #tpu.memory_space<vmem>>
      %dma_wait3A_49 = arith.constant 0 : i32
      %dma_wait3A_50 = tpu.memref_slice %arg8[%dma_wait3A_46, %dma_wait3A_49] : memref<80x125xi32, #tpu.memory_space<vmem>> -> memref<1x125xi32, #tpu.memory_space<vmem>>
      %dma_wait3A_51 = tpu.memref_squeeze %dma_wait3A_50 : memref<1x125xi32, #tpu.memory_space<vmem>> -> memref<125xi32, #tpu.memory_space<vmem>>
      %dma_wait3A_52 = arith.constant 0 : i32
      %dma_wait3A_53 = tpu.memref_slice %arg11[%dma_wait3A_52] : memref<10240xf32, #tpu.memory_space<vmem_shared>> -> memref<10240xf32, #tpu.memory_space<vmem_shared>>
      tpu.wait_indirect_dma semaphore(%arg13 : memref<!tpu.dma_semaphore, #tpu.memory_space<semaphore_mem>>) src(%dma_wait3A_48 : memref<125xf32, #tpu.memory_space<vmem>>) dst(%dma_wait3A_53 : memref<10240xf32, #tpu.memory_space<vmem_shared>>)
      %scan3A_54 = arith.constant 0 : i32
      scf.yield %scan3A_54 : i32
    }
    %scan3A_31 = arith.constant 80 : i32
    %barrier3A_32 = arith.constant 0 : index
    tpu.barrier barrier_id(%barrier3A_32)
    %mul3A_33 = arith.constant 640 : i32
    %mul3A_34 = arith.muli %arg1, %mul3A_33 : i32
    "tpu.region"() ({
      %run_scoped3A = tpu.sem_alloc : memref<!tpu.dma_semaphore, #tpu.memory_space<semaphore_mem>>
      %dma_start3A = tpu.memref_slice %arg10[%mul3A_34] : memref<10240xf32, #tpu.memory_space<vmem_shared>> -> memref<640xf32, #tpu.memory_space<vmem_shared>>
      %dma_start3A_37 = tpu.memref_slice %arg10[%mul3A_34] : memref<10240xf32, #tpu.memory_space<vmem_shared>> -> memref<640xf32, #tpu.memory_space<vmem_shared>>
      tpu.enqueue_dma source(%dma_start3A_37 : memref<640xf32, #tpu.memory_space<vmem_shared>>) target(%arg9 : memref<640xf32, #tpu.memory_space<vmem>>) target_semaphore(%run_scoped3A : memref<!tpu.dma_semaphore, #tpu.memory_space<semaphore_mem>>)
      %dma_wait3A = tpu.memref_slice %arg10[%mul3A_34] : memref<10240xf32, #tpu.memory_space<vmem_shared>> -> memref<640xf32, #tpu.memory_space<vmem_shared>>
      %dma_wait3A_38 = tpu.memref_slice %arg10[%mul3A_34] : memref<10240xf32, #tpu.memory_space<vmem_shared>> -> memref<640xf32, #tpu.memory_space<vmem_shared>>
      tpu.wait_dma2 semaphore(%run_scoped3A : memref<!tpu.dma_semaphore, #tpu.memory_space<semaphore_mem>>) src(%dma_wait3A_38 : memref<640xf32, #tpu.memory_space<vmem_shared>>) dst(%arg9 : memref<640xf32, #tpu.memory_space<vmem>>)
      tpu.yield
    }) : () -> ()
    "tpu.region"() ({
      %run_scoped3A = tpu.sem_alloc : memref<!tpu.dma_semaphore, #tpu.memory_space<semaphore_mem>>
      %dma_start3A = arith.constant 0 : i32
      %dma_start3A_37 = tpu.memref_slice %arg4[%arg0, %arg1, %dma_start3A] : memref<2x16x640xf32, #tpu.memory_space<hbm>> -> memref<1x1x640xf32, #tpu.memory_space<hbm>>
      %dma_start3A_38 = tpu.memref_squeeze %dma_start3A_37 : memref<1x1x640xf32, #tpu.memory_space<hbm>> -> memref<640xf32, #tpu.memory_space<hbm>>
      %dma_start3A_39 = arith.constant 0 : i32
      %dma_start3A_40 = tpu.memref_slice %arg4[%arg0, %arg1, %dma_start3A_39] : memref<2x16x640xf32, #tpu.memory_space<hbm>> -> memref<1x1x640xf32, #tpu.memory_space<hbm>>
      %dma_start3A_41 = tpu.memref_squeeze %dma_start3A_40 : memref<1x1x640xf32, #tpu.memory_space<hbm>> -> memref<640xf32, #tpu.memory_space<hbm>>
      tpu.enqueue_dma source(%arg9 : memref<640xf32, #tpu.memory_space<vmem>>) target(%dma_start3A_41 : memref<640xf32, #tpu.memory_space<hbm>>) target_semaphore(%run_scoped3A : memref<!tpu.dma_semaphore, #tpu.memory_space<semaphore_mem>>)
      %dma_wait3A = arith.constant 0 : i32
      %dma_wait3A_42 = tpu.memref_slice %arg4[%arg0, %arg1, %dma_wait3A] : memref<2x16x640xf32, #tpu.memory_space<hbm>> -> memref<1x1x640xf32, #tpu.memory_space<hbm>>
      %dma_wait3A_43 = tpu.memref_squeeze %dma_wait3A_42 : memref<1x1x640xf32, #tpu.memory_space<hbm>> -> memref<640xf32, #tpu.memory_space<hbm>>
      %dma_wait3A_44 = arith.constant 0 : i32
      %dma_wait3A_45 = tpu.memref_slice %arg4[%arg0, %arg1, %dma_wait3A_44] : memref<2x16x640xf32, #tpu.memory_space<hbm>> -> memref<1x1x640xf32, #tpu.memory_space<hbm>>
      %dma_wait3A_46 = tpu.memref_squeeze %dma_wait3A_45 : memref<1x1x640xf32, #tpu.memory_space<hbm>> -> memref<640xf32, #tpu.memory_space<hbm>>
      tpu.wait_dma2 semaphore(%run_scoped3A : memref<!tpu.dma_semaphore, #tpu.memory_space<semaphore_mem>>) src(%arg9 : memref<640xf32, #tpu.memory_space<vmem>>) dst(%dma_wait3A_46 : memref<640xf32, #tpu.memory_space<hbm>>)
      tpu.yield
    }) : () -> ()
    %mul3A_35 = arith.constant 640 : i32
    %mul3A_36 = arith.muli %arg1, %mul3A_35 : i32
    "tpu.region"() ({
      %run_scoped3A = tpu.sem_alloc : memref<!tpu.dma_semaphore, #tpu.memory_space<semaphore_mem>>
      %dma_start3A = tpu.memref_slice %arg11[%mul3A_36] : memref<10240xf32, #tpu.memory_space<vmem_shared>> -> memref<640xf32, #tpu.memory_space<vmem_shared>>
      %dma_start3A_37 = tpu.memref_slice %arg11[%mul3A_36] : memref<10240xf32, #tpu.memory_space<vmem_shared>> -> memref<640xf32, #tpu.memory_space<vmem_shared>>
      tpu.enqueue_dma source(%dma_start3A_37 : memref<640xf32, #tpu.memory_space<vmem_shared>>) target(%arg9 : memref<640xf32, #tpu.memory_space<vmem>>) target_semaphore(%run_scoped3A : memref<!tpu.dma_semaphore, #tpu.memory_space<semaphore_mem>>)
      %dma_wait3A = tpu.memref_slice %arg11[%mul3A_36] : memref<10240xf32, #tpu.memory_space<vmem_shared>> -> memref<640xf32, #tpu.memory_space<vmem_shared>>
      %dma_wait3A_38 = tpu.memref_slice %arg11[%mul3A_36] : memref<10240xf32, #tpu.memory_space<vmem_shared>> -> memref<640xf32, #tpu.memory_space<vmem_shared>>
      tpu.wait_dma2 semaphore(%run_scoped3A : memref<!tpu.dma_semaphore, #tpu.memory_space<semaphore_mem>>) src(%dma_wait3A_38 : memref<640xf32, #tpu.memory_space<vmem_shared>>) dst(%arg9 : memref<640xf32, #tpu.memory_space<vmem>>)
      tpu.yield
    }) : () -> ()
    "tpu.region"() ({
      %run_scoped3A = tpu.sem_alloc : memref<!tpu.dma_semaphore, #tpu.memory_space<semaphore_mem>>
      %dma_start3A = arith.constant 0 : i32
      %dma_start3A_37 = tpu.memref_slice %arg5[%arg0, %arg1, %dma_start3A] : memref<2x16x640xf32, #tpu.memory_space<hbm>> -> memref<1x1x640xf32, #tpu.memory_space<hbm>>
      %dma_start3A_38 = tpu.memref_squeeze %dma_start3A_37 : memref<1x1x640xf32, #tpu.memory_space<hbm>> -> memref<640xf32, #tpu.memory_space<hbm>>
      %dma_start3A_39 = arith.constant 0 : i32
      %dma_start3A_40 = tpu.memref_slice %arg5[%arg0, %arg1, %dma_start3A_39] : memref<2x16x640xf32, #tpu.memory_space<hbm>> -> memref<1x1x640xf32, #tpu.memory_space<hbm>>
      %dma_start3A_41 = tpu.memref_squeeze %dma_start3A_40 : memref<1x1x640xf32, #tpu.memory_space<hbm>> -> memref<640xf32, #tpu.memory_space<hbm>>
      tpu.enqueue_dma source(%arg9 : memref<640xf32, #tpu.memory_space<vmem>>) target(%dma_start3A_41 : memref<640xf32, #tpu.memory_space<hbm>>) target_semaphore(%run_scoped3A : memref<!tpu.dma_semaphore, #tpu.memory_space<semaphore_mem>>)
      %dma_wait3A = arith.constant 0 : i32
      %dma_wait3A_42 = tpu.memref_slice %arg5[%arg0, %arg1, %dma_wait3A] : memref<2x16x640xf32, #tpu.memory_space<hbm>> -> memref<1x1x640xf32, #tpu.memory_space<hbm>>
      %dma_wait3A_43 = tpu.memref_squeeze %dma_wait3A_42 : memref<1x1x640xf32, #tpu.memory_space<hbm>> -> memref<640xf32, #tpu.memory_space<hbm>>
      %dma_wait3A_44 = arith.constant 0 : i32
      %dma_wait3A_45 = tpu.memref_slice %arg5[%arg0, %arg1, %dma_wait3A_44] : memref<2x16x640xf32, #tpu.memory_space<hbm>> -> memref<1x1x640xf32, #tpu.memory_space<hbm>>
      %dma_wait3A_46 = tpu.memref_squeeze %dma_wait3A_45 : memref<1x1x640xf32, #tpu.memory_space<hbm>> -> memref<640xf32, #tpu.memory_space<hbm>>
      tpu.wait_dma2 semaphore(%run_scoped3A : memref<!tpu.dma_semaphore, #tpu.memory_space<semaphore_mem>>) src(%arg9 : memref<640xf32, #tpu.memory_space<vmem>>) dst(%dma_wait3A_46 : memref<640xf32, #tpu.memory_space<hbm>>)
      tpu.yield
    }) : () -> ()
    return
  }
}

#map = affine_map<(d0, d1) -> (0, 0)>
#map1 = affine_map<(d0, d1) -> (0, 0, 0)>
module attributes {stable_mosaic.version = 14 : i64} {
  func.func @_scatter_body(%arg0: i32, %arg1: i32, %arg2: memref<10000x128xf32, #tpu.memory_space<hbm>>, %arg3: memref<32x80x125xi32, #tpu.memory_space<hbm>>, %arg4: memref<32x80x125xi32, #tpu.memory_space<hbm>>, %arg5: memref<2x10240x128xf32, #tpu.memory_space<hbm>>, %arg6: memref<125xi32, #tpu.memory_space<vmem>>, %arg7: memref<125xi32, #tpu.memory_space<vmem>>, %arg8: memref<80x125xi32, #tpu.memory_space<vmem>>, %arg9: memref<125x128xf32, #tpu.memory_space<vmem>>, %arg10: memref<125x128xf32, #tpu.memory_space<vmem>>, %arg11: memref<10240x128xf32, #tpu.memory_space<vmem_shared>>, %arg12: memref<!tpu.dma_semaphore, #tpu.memory_space<semaphore_mem>>, %arg13: memref<!tpu.dma_semaphore, #tpu.memory_space<semaphore_mem>>, %arg14: memref<!tpu.dma_semaphore, #tpu.memory_space<semaphore_mem>>, %arg15: memref<!tpu.dma_semaphore, #tpu.memory_space<semaphore_mem>>) attributes {dimension_semantics = [#tpu.dimension_semantics<core_parallel>, #tpu.dimension_semantics<subcore_parallel>], iteration_bounds = array<i64: 2, 16>, scalar_prefetch = 0 : i64, scratch_operands = 10 : i64, tpu.core_type = #tpu.core_type<sc_vector_subcore>, window_params = [{transform_indices = #map}, {transform_indices = #map1}, {transform_indices = #map1}, {transform_indices = #map1}]} {
    %mul3A = arith.constant 16 : i32
    %mul3A_0 = arith.muli %arg0, %mul3A : i32
    %add3A = arith.addi %mul3A_0, %arg1 : i32
    "tpu.region"() ({
      %run_scoped3A = tpu.sem_alloc : memref<!tpu.dma_semaphore, #tpu.memory_space<semaphore_mem>>
      %dma_start3A_51 = arith.constant 0 : i32
      %dma_start3A_52 = arith.constant 0 : i32
      %dma_start3A_53 = tpu.memref_slice %arg4[%add3A, %dma_start3A_51, %dma_start3A_52] : memref<32x80x125xi32, #tpu.memory_space<hbm>> -> memref<1x80x125xi32, #tpu.memory_space<hbm>>
      %dma_start3A_54 = tpu.memref_squeeze %dma_start3A_53 : memref<1x80x125xi32, #tpu.memory_space<hbm>> -> memref<80x125xi32, #tpu.memory_space<hbm>>
      %dma_start3A_55 = arith.constant 0 : i32
      %dma_start3A_56 = arith.constant 0 : i32
      %dma_start3A_57 = tpu.memref_slice %arg4[%add3A, %dma_start3A_55, %dma_start3A_56] : memref<32x80x125xi32, #tpu.memory_space<hbm>> -> memref<1x80x125xi32, #tpu.memory_space<hbm>>
      %dma_start3A_58 = tpu.memref_squeeze %dma_start3A_57 : memref<1x80x125xi32, #tpu.memory_space<hbm>> -> memref<80x125xi32, #tpu.memory_space<hbm>>
      tpu.enqueue_dma source(%dma_start3A_58 : memref<80x125xi32, #tpu.memory_space<hbm>>) target(%arg8 : memref<80x125xi32, #tpu.memory_space<vmem>>) target_semaphore(%run_scoped3A : memref<!tpu.dma_semaphore, #tpu.memory_space<semaphore_mem>>)
      %dma_wait3A_59 = arith.constant 0 : i32
      %dma_wait3A_60 = arith.constant 0 : i32
      %dma_wait3A_61 = tpu.memref_slice %arg4[%add3A, %dma_wait3A_59, %dma_wait3A_60] : memref<32x80x125xi32, #tpu.memory_space<hbm>> -> memref<1x80x125xi32, #tpu.memory_space<hbm>>
      %dma_wait3A_62 = tpu.memref_squeeze %dma_wait3A_61 : memref<1x80x125xi32, #tpu.memory_space<hbm>> -> memref<80x125xi32, #tpu.memory_space<hbm>>
      %dma_wait3A_63 = arith.constant 0 : i32
      %dma_wait3A_64 = arith.constant 0 : i32
      %dma_wait3A_65 = tpu.memref_slice %arg4[%add3A, %dma_wait3A_63, %dma_wait3A_64] : memref<32x80x125xi32, #tpu.memory_space<hbm>> -> memref<1x80x125xi32, #tpu.memory_space<hbm>>
      %dma_wait3A_66 = tpu.memref_squeeze %dma_wait3A_65 : memref<1x80x125xi32, #tpu.memory_space<hbm>> -> memref<80x125xi32, #tpu.memory_space<hbm>>
      tpu.wait_dma2 semaphore(%run_scoped3A : memref<!tpu.dma_semaphore, #tpu.memory_space<semaphore_mem>>) src(%dma_wait3A_66 : memref<80x125xi32, #tpu.memory_space<hbm>>) dst(%arg8 : memref<80x125xi32, #tpu.memory_space<vmem>>)
      tpu.yield
    }) : () -> ()
    %scan3A = arith.constant 0 : i32
    %scan3A_1 = arith.constant 0 : i32
    %scan3A_2 = arith.constant 640 : i32
    %scan3A_3 = arith.addi %scan3A_1, %scan3A_2 : i32
    %scan3A_4 = arith.constant 1 : i32
    %scan3A_5 = scf.for %scan3A_51 = %scan3A_1 to %scan3A_3 step %scan3A_4 iter_args(%scan3A_52 = %scan3A) -> (i32)  : i32 {
      %jit3A = arith.constant 8 : i32
      %div3A = arith.divsi %scan3A_51, %jit3A : i32
      %sign3A = arith.constant 0 : i32
      %sign3A_53 = arith.cmpi sgt, %scan3A_51, %sign3A : i32
      %sign3A_54 = arith.extui %sign3A_53 : i1 to i32
      %sign3A_55 = arith.constant 0 : i32
      %sign3A_56 = arith.cmpi slt, %scan3A_51, %sign3A_55 : i32
      %sign3A_57 = arith.extui %sign3A_56 : i1 to i32
      %sign3A_58 = arith.subi %sign3A_54, %sign3A_57 : i32
      %sign3A_59 = arith.constant 0 : i32
      %sign3A_60 = arith.cmpi sgt, %jit3A, %sign3A_59 : i32
      %sign3A_61 = arith.extui %sign3A_60 : i1 to i32
      %sign3A_62 = arith.constant 0 : i32
      %sign3A_63 = arith.cmpi slt, %jit3A, %sign3A_62 : i32
      %sign3A_64 = arith.extui %sign3A_63 : i1 to i32
      %sign3A_65 = arith.subi %sign3A_61, %sign3A_64 : i32
      %ne3A = arith.cmpi ne, %sign3A_58, %sign3A_65 : i32
      %rem3A = arith.remsi %scan3A_51, %jit3A : i32
      %ne3A_66 = arith.constant 0 : i32
      %ne3A_67 = arith.cmpi ne, %rem3A, %ne3A_66 : i32
      %and3A = arith.andi %ne3A, %ne3A_67 : i1
      %sub3A = arith.constant 1 : i32
      %sub3A_68 = arith.subi %div3A, %sub3A : i32
      %select_n3A = arith.select %and3A, %sub3A_68, %div3A : i32
      %jit3A_69 = arith.constant 8 : i32
      %eq3A = arith.constant 0 : i32
      %eq3A_70 = arith.cmpi eq, %jit3A_69, %eq3A : i32
      %jit3A_71 = arith.constant 1 : i32
      %select_n3A_72 = arith.select %eq3A_70, %jit3A_71, %jit3A_69 : i32
      %rem3A_73 = arith.remsi %scan3A_51, %select_n3A_72 : i32
      %ne3A_74 = arith.constant 0 : i32
      %ne3A_75 = arith.cmpi ne, %rem3A_73, %ne3A_74 : i32
      %lt3A = arith.constant 0 : i32
      %lt3A_76 = arith.cmpi slt, %rem3A_73, %lt3A : i32
      %lt3A_77 = arith.constant 0 : i32
      %lt3A_78 = arith.cmpi slt, %select_n3A_72, %lt3A_77 : i32
      %ne3A_79 = arith.xori %lt3A_76, %lt3A_78 : i1
      %and3A_80 = arith.andi %ne3A_79, %ne3A_75 : i1
      %add3A_81 = arith.addi %rem3A_73, %select_n3A_72 : i32
      %select_n3A_82 = arith.select %and3A_80, %add3A_81, %rem3A_73 : i32
      %broadcast_in_dim3A = arith.constant 0.000000e+00 : f32
      %broadcast_in_dim3A_83 = vector.broadcast %broadcast_in_dim3A : f32 to vector<16xf32>
      %mul3A_84 = arith.constant 16 : i32
      %mul3A_85 = arith.muli %select_n3A_82, %mul3A_84 : i32
      %swap3A = arith.index_cast %select_n3A : i32 to index
      %swap3A_86 = arith.index_cast %mul3A_85 : i32 to index
      %swap3A_87 = tpu.vector_load %arg9[%swap3A, %swap3A_86] {strides = array<i32>} : memref<125x128xf32, #tpu.memory_space<vmem>>, vector<1x16xf32>,
      %swap3A_88 = vector.shape_cast %swap3A_87 : vector<1x16xf32> to vector<16xf32>
      %swap3A_89 = vector.shape_cast %broadcast_in_dim3A_83 : vector<16xf32> to vector<1x16xf32>
      tpu.vector_store %arg9[%swap3A, %swap3A_86], %swap3A_89 {strides = array<i32>} : memref<125x128xf32, #tpu.memory_space<vmem>>, vector<1x16xf32>,
      %scan3A_90 = arith.constant 0 : i32
      scf.yield %scan3A_90 : i32
    }
    %scan3A_6 = arith.constant 640 : i32
    %scan3A_7 = arith.constant 0 : i32
    %scan3A_8 = arith.constant 0 : i32
    %scan3A_9 = arith.constant 8 : i32
    %scan3A_10 = arith.addi %scan3A_8, %scan3A_9 : i32
    %scan3A_11 = arith.constant 1 : i32
    %scan3A_12 = scf.for %scan3A_51 = %scan3A_8 to %scan3A_10 step %scan3A_11 iter_args(%scan3A_52 = %scan3A_7) -> (i32)  : i32 {
      %mul3A_53 = arith.constant 640 : i32
      %mul3A_54 = arith.muli %arg1, %mul3A_53 : i32
      %mul3A_55 = arith.constant 80 : i32
      %mul3A_56 = arith.muli %scan3A_51, %mul3A_55 : i32
      %add3A_57 = arith.addi %mul3A_54, %mul3A_56 : i32
      "tpu.region"() ({
        %run_scoped3A = tpu.sem_alloc : memref<!tpu.dma_semaphore, #tpu.memory_space<semaphore_mem>>
        %dma_start3A_59 = arith.constant 0 : i32
        %dma_start3A_60 = arith.constant 0 : i32
        %dma_start3A_61 = tpu.memref_slice %arg9[%dma_start3A_59, %dma_start3A_60] : memref<125x128xf32, #tpu.memory_space<vmem>> -> memref<80x128xf32, #tpu.memory_space<vmem>>
        %dma_start3A_62 = arith.constant 0 : i32
        %dma_start3A_63 = tpu.memref_slice %arg11[%add3A_57, %dma_start3A_62] : memref<10240x128xf32, #tpu.memory_space<vmem_shared>> -> memref<80x128xf32, #tpu.memory_space<vmem_shared>>
        %dma_start3A_64 = arith.constant 0 : i32
        %dma_start3A_65 = tpu.memref_slice %arg11[%add3A_57, %dma_start3A_64] : memref<10240x128xf32, #tpu.memory_space<vmem_shared>> -> memref<80x128xf32, #tpu.memory_space<vmem_shared>>
        %dma_start3A_66 = arith.constant 0 : i32
        %dma_start3A_67 = arith.constant 0 : i32
        %dma_start3A_68 = tpu.memref_slice %arg9[%dma_start3A_66, %dma_start3A_67] : memref<125x128xf32, #tpu.memory_space<vmem>> -> memref<80x128xf32, #tpu.memory_space<vmem>>
        tpu.enqueue_dma source(%dma_start3A_68 : memref<80x128xf32, #tpu.memory_space<vmem>>) target(%dma_start3A_65 : memref<80x128xf32, #tpu.memory_space<vmem_shared>>) target_semaphore(%run_scoped3A : memref<!tpu.dma_semaphore, #tpu.memory_space<semaphore_mem>>)
        %dma_wait3A_69 = arith.constant 0 : i32
        %dma_wait3A_70 = arith.constant 0 : i32
        %dma_wait3A_71 = tpu.memref_slice %arg9[%dma_wait3A_69, %dma_wait3A_70] : memref<125x128xf32, #tpu.memory_space<vmem>> -> memref<80x128xf32, #tpu.memory_space<vmem>>
        %dma_wait3A_72 = arith.constant 0 : i32
        %dma_wait3A_73 = tpu.memref_slice %arg11[%add3A_57, %dma_wait3A_72] : memref<10240x128xf32, #tpu.memory_space<vmem_shared>> -> memref<80x128xf32, #tpu.memory_space<vmem_shared>>
        %dma_wait3A_74 = arith.constant 0 : i32
        %dma_wait3A_75 = tpu.memref_slice %arg11[%add3A_57, %dma_wait3A_74] : memref<10240x128xf32, #tpu.memory_space<vmem_shared>> -> memref<80x128xf32, #tpu.memory_space<vmem_shared>>
        %dma_wait3A_76 = arith.constant 0 : i32
        %dma_wait3A_77 = arith.constant 0 : i32
        %dma_wait3A_78 = tpu.memref_slice %arg9[%dma_wait3A_76, %dma_wait3A_77] : memref<125x128xf32, #tpu.memory_space<vmem>> -> memref<80x128xf32, #tpu.memory_space<vmem>>
        tpu.wait_dma2 semaphore(%run_scoped3A : memref<!tpu.dma_semaphore, #tpu.memory_space<semaphore_mem>>) src(%dma_wait3A_78 : memref<80x128xf32, #tpu.memory_space<vmem>>) dst(%dma_wait3A_75 : memref<80x128xf32, #tpu.memory_space<vmem_shared>>)
        tpu.yield
      }) : () -> ()
      %scan3A_58 = arith.constant 0 : i32
      scf.yield %scan3A_58 : i32
    }
    %scan3A_13 = arith.constant 8 : i32
    %barrier3A = arith.constant 0 : index
    tpu.barrier barrier_id(%barrier3A)
    %dma_start3A = arith.constant 0 : i32
    %dma_start3A_14 = arith.constant 0 : i32
    %dma_start3A_15 = tpu.memref_slice %arg3[%add3A, %dma_start3A, %dma_start3A_14] : memref<32x80x125xi32, #tpu.memory_space<hbm>> -> memref<1x1x125xi32, #tpu.memory_space<hbm>>
    %dma_start3A_16 = tpu.memref_squeeze %dma_start3A_15 : memref<1x1x125xi32, #tpu.memory_space<hbm>> -> memref<125xi32, #tpu.memory_space<hbm>>
    %dma_start3A_17 = arith.constant 0 : i32
    %dma_start3A_18 = tpu.memref_slice %arg3[%add3A, %dma_start3A, %dma_start3A_17] : memref<32x80x125xi32, #tpu.memory_space<hbm>> -> memref<1x1x125xi32, #tpu.memory_space<hbm>>
    %dma_start3A_19 = tpu.memref_squeeze %dma_start3A_18 : memref<1x1x125xi32, #tpu.memory_space<hbm>> -> memref<125xi32, #tpu.memory_space<hbm>>
    tpu.enqueue_dma source(%dma_start3A_19 : memref<125xi32, #tpu.memory_space<hbm>>) target(%arg6 : memref<125xi32, #tpu.memory_space<vmem>>) target_semaphore(%arg14 : memref<!tpu.dma_semaphore, #tpu.memory_space<semaphore_mem>>)
    %dma_start3A_20 = arith.constant 1 : i32
    %dma_start3A_21 = arith.constant 0 : i32
    %dma_start3A_22 = tpu.memref_slice %arg3[%add3A, %dma_start3A_20, %dma_start3A_21] : memref<32x80x125xi32, #tpu.memory_space<hbm>> -> memref<1x1x125xi32, #tpu.memory_space<hbm>>
    %dma_start3A_23 = tpu.memref_squeeze %dma_start3A_22 : memref<1x1x125xi32, #tpu.memory_space<hbm>> -> memref<125xi32, #tpu.memory_space<hbm>>
    %dma_start3A_24 = arith.constant 0 : i32
    %dma_start3A_25 = tpu.memref_slice %arg3[%add3A, %dma_start3A_20, %dma_start3A_24] : memref<32x80x125xi32, #tpu.memory_space<hbm>> -> memref<1x1x125xi32, #tpu.memory_space<hbm>>
    %dma_start3A_26 = tpu.memref_squeeze %dma_start3A_25 : memref<1x1x125xi32, #tpu.memory_space<hbm>> -> memref<125xi32, #tpu.memory_space<hbm>>
    tpu.enqueue_dma source(%dma_start3A_26 : memref<125xi32, #tpu.memory_space<hbm>>) target(%arg7 : memref<125xi32, #tpu.memory_space<vmem>>) target_semaphore(%arg15 : memref<!tpu.dma_semaphore, #tpu.memory_space<semaphore_mem>>)
    %dma_wait3A = arith.constant 0 : i32
    %dma_wait3A_27 = arith.constant 0 : i32
    %dma_wait3A_28 = tpu.memref_slice %arg3[%add3A, %dma_wait3A, %dma_wait3A_27] : memref<32x80x125xi32, #tpu.memory_space<hbm>> -> memref<1x1x125xi32, #tpu.memory_space<hbm>>
    %dma_wait3A_29 = tpu.memref_squeeze %dma_wait3A_28 : memref<1x1x125xi32, #tpu.memory_space<hbm>> -> memref<125xi32, #tpu.memory_space<hbm>>
    %dma_wait3A_30 = arith.constant 0 : i32
    %dma_wait3A_31 = tpu.memref_slice %arg3[%add3A, %dma_wait3A, %dma_wait3A_30] : memref<32x80x125xi32, #tpu.memory_space<hbm>> -> memref<1x1x125xi32, #tpu.memory_space<hbm>>
    %dma_wait3A_32 = tpu.memref_squeeze %dma_wait3A_31 : memref<1x1x125xi32, #tpu.memory_space<hbm>> -> memref<125xi32, #tpu.memory_space<hbm>>
    tpu.wait_dma2 semaphore(%arg14 : memref<!tpu.dma_semaphore, #tpu.memory_space<semaphore_mem>>) src(%dma_wait3A_32 : memref<125xi32, #tpu.memory_space<hbm>>) dst(%arg6 : memref<125xi32, #tpu.memory_space<vmem>>)
    %dma_start3A_33 = arith.constant 0 : i32
    %dma_start3A_34 = arith.constant 0 : i32
    %dma_start3A_35 = tpu.memref_slice %arg2[%dma_start3A_33, %dma_start3A_34] : memref<10000x128xf32, #tpu.memory_space<hbm>> -> memref<10000x128xf32, #tpu.memory_space<hbm>>
    tpu.enqueue_indirect_dma source(%dma_start3A_35 : memref<10000x128xf32, #tpu.memory_space<hbm>>) target(%arg9 : memref<125x128xf32, #tpu.memory_space<vmem>>) offsets(%arg6 : memref<125xi32, #tpu.memory_space<vmem>>) semaphore(%arg12 : memref<!tpu.dma_semaphore, #tpu.memory_space<semaphore_mem>>)
    %scan3A_36 = arith.constant 0 : i32
    %scan3A_37 = arith.constant 0 : i32
    %scan3A_38 = arith.constant 40 : i32
    %scan3A_39 = arith.addi %scan3A_37, %scan3A_38 : i32
    %scan3A_40 = arith.constant 1 : i32
    %scan3A_41 = scf.for %scan3A_51 = %scan3A_37 to %scan3A_39 step %scan3A_40 iter_args(%scan3A_52 = %scan3A_36) -> (i32)  : i32 {
      %mul3A_53 = arith.constant 2 : i32
      %mul3A_54 = arith.muli %mul3A_53, %scan3A_51 : i32
      %add3A_55 = arith.constant 1 : i32
      %add3A_56 = arith.addi %mul3A_54, %add3A_55 : i32
      %dma_wait3A_57 = arith.constant 0 : i32
      %dma_wait3A_58 = tpu.memref_slice %arg3[%add3A, %add3A_56, %dma_wait3A_57] : memref<32x80x125xi32, #tpu.memory_space<hbm>> -> memref<1x1x125xi32, #tpu.memory_space<hbm>>
      %dma_wait3A_59 = tpu.memref_squeeze %dma_wait3A_58 : memref<1x1x125xi32, #tpu.memory_space<hbm>> -> memref<125xi32, #tpu.memory_space<hbm>>
      %dma_wait3A_60 = arith.constant 0 : i32
      %dma_wait3A_61 = tpu.memref_slice %arg3[%add3A, %add3A_56, %dma_wait3A_60] : memref<32x80x125xi32, #tpu.memory_space<hbm>> -> memref<1x1x125xi32, #tpu.memory_space<hbm>>
      %dma_wait3A_62 = tpu.memref_squeeze %dma_wait3A_61 : memref<1x1x125xi32, #tpu.memory_space<hbm>> -> memref<125xi32, #tpu.memory_space<hbm>>
      tpu.wait_dma2 semaphore(%arg15 : memref<!tpu.dma_semaphore, #tpu.memory_space<semaphore_mem>>) src(%dma_wait3A_62 : memref<125xi32, #tpu.memory_space<hbm>>) dst(%arg7 : memref<125xi32, #tpu.memory_space<vmem>>)
      %dma_start3A_63 = arith.constant 0 : i32
      %dma_start3A_64 = arith.constant 0 : i32
      %dma_start3A_65 = tpu.memref_slice %arg2[%dma_start3A_63, %dma_start3A_64] : memref<10000x128xf32, #tpu.memory_space<hbm>> -> memref<10000x128xf32, #tpu.memory_space<hbm>>
      tpu.enqueue_indirect_dma source(%dma_start3A_65 : memref<10000x128xf32, #tpu.memory_space<hbm>>) target(%arg10 : memref<125x128xf32, #tpu.memory_space<vmem>>) offsets(%arg7 : memref<125xi32, #tpu.memory_space<vmem>>) semaphore(%arg13 : memref<!tpu.dma_semaphore, #tpu.memory_space<semaphore_mem>>)
      %dma_wait3A_66 = arith.constant 0 : i32
      %dma_wait3A_67 = arith.constant 0 : i32
      %dma_wait3A_68 = tpu.memref_slice %arg2[%dma_wait3A_66, %dma_wait3A_67] : memref<10000x128xf32, #tpu.memory_space<hbm>> -> memref<10000x128xf32, #tpu.memory_space<hbm>>
      tpu.wait_indirect_dma semaphore(%arg12 : memref<!tpu.dma_semaphore, #tpu.memory_space<semaphore_mem>>) src(%dma_wait3A_68 : memref<10000x128xf32, #tpu.memory_space<hbm>>) dst(%arg9 : memref<125x128xf32, #tpu.memory_space<vmem>>)
      %add3A_69 = arith.constant 2 : i32
      %add3A_70 = arith.addi %mul3A_54, %add3A_69 : i32
      %lt3A = arith.constant 80 : i32
      %lt3A_71 = arith.cmpi slt, %add3A_70, %lt3A : i32
      %convert_element_type3A = arith.extui %lt3A_71 : i1 to i32
      %cond3A = arith.constant 0 : i32
      %cond3A_72 = arith.cmpi ne, %convert_element_type3A, %cond3A : i32
      scf.if %cond3A_72 {
        %add3A_93 = arith.constant 2 : i32
        %add3A_94 = arith.addi %mul3A_54, %add3A_93 : i32
        %dma_start3A_95 = arith.constant 0 : i32
        %dma_start3A_96 = tpu.memref_slice %arg3[%add3A, %add3A_94, %dma_start3A_95] : memref<32x80x125xi32, #tpu.memory_space<hbm>> -> memref<1x1x125xi32, #tpu.memory_space<hbm>>
        %dma_start3A_97 = tpu.memref_squeeze %dma_start3A_96 : memref<1x1x125xi32, #tpu.memory_space<hbm>> -> memref<125xi32, #tpu.memory_space<hbm>>
        %dma_start3A_98 = arith.constant 0 : i32
        %dma_start3A_99 = tpu.memref_slice %arg3[%add3A, %add3A_94, %dma_start3A_98] : memref<32x80x125xi32, #tpu.memory_space<hbm>> -> memref<1x1x125xi32, #tpu.memory_space<hbm>>
        %dma_start3A_100 = tpu.memref_squeeze %dma_start3A_99 : memref<1x1x125xi32, #tpu.memory_space<hbm>> -> memref<125xi32, #tpu.memory_space<hbm>>
        tpu.enqueue_dma source(%dma_start3A_100 : memref<125xi32, #tpu.memory_space<hbm>>) target(%arg6 : memref<125xi32, #tpu.memory_space<vmem>>) target_semaphore(%arg14 : memref<!tpu.dma_semaphore, #tpu.memory_space<semaphore_mem>>)
      } else {
      }
      "tpu.region"() ({
        %run_scoped3A = tpu.sem_alloc : memref<!tpu.dma_semaphore, #tpu.memory_space<semaphore_mem>>
        %dma_start3A_93 = arith.constant 0 : i32
        %dma_start3A_94 = tpu.memref_slice %arg8[%mul3A_54, %dma_start3A_93] : memref<80x125xi32, #tpu.memory_space<vmem>> -> memref<1x125xi32, #tpu.memory_space<vmem>>
        %dma_start3A_95 = tpu.memref_squeeze %dma_start3A_94 : memref<1x125xi32, #tpu.memory_space<vmem>> -> memref<125xi32, #tpu.memory_space<vmem>>
        %dma_start3A_96 = arith.constant 0 : i32
        %dma_start3A_97 = arith.constant 0 : i32
        %dma_start3A_98 = tpu.memref_slice %arg11[%dma_start3A_96, %dma_start3A_97] : memref<10240x128xf32, #tpu.memory_space<vmem_shared>> -> memref<10240x128xf32, #tpu.memory_space<vmem_shared>>
        tpu.enqueue_indirect_dma source(%arg9 : memref<125x128xf32, #tpu.memory_space<vmem>>) target(%dma_start3A_98 : memref<10240x128xf32, #tpu.memory_space<vmem_shared>>) offsets(%dma_start3A_95 : memref<125xi32, #tpu.memory_space<vmem>>) semaphore(%run_scoped3A : memref<!tpu.dma_semaphore, #tpu.memory_space<semaphore_mem>>) {add = true}
        %dma_wait3A_99 = arith.constant 0 : i32
        %dma_wait3A_100 = tpu.memref_slice %arg8[%mul3A_54, %dma_wait3A_99] : memref<80x125xi32, #tpu.memory_space<vmem>> -> memref<1x125xi32, #tpu.memory_space<vmem>>
        %dma_wait3A_101 = tpu.memref_squeeze %dma_wait3A_100 : memref<1x125xi32, #tpu.memory_space<vmem>> -> memref<125xi32, #tpu.memory_space<vmem>>
        %dma_wait3A_102 = arith.constant 0 : i32
        %dma_wait3A_103 = arith.constant 0 : i32
        %dma_wait3A_104 = tpu.memref_slice %arg11[%dma_wait3A_102, %dma_wait3A_103] : memref<10240x128xf32, #tpu.memory_space<vmem_shared>> -> memref<10240x128xf32, #tpu.memory_space<vmem_shared>>
        tpu.wait_indirect_dma semaphore(%run_scoped3A : memref<!tpu.dma_semaphore, #tpu.memory_space<semaphore_mem>>) src(%arg9 : memref<125x128xf32, #tpu.memory_space<vmem>>) dst(%dma_wait3A_104 : memref<10240x128xf32, #tpu.memory_space<vmem_shared>>)
        tpu.yield
      }) : () -> ()
      %add3A_73 = arith.constant 2 : i32
      %add3A_74 = arith.addi %mul3A_54, %add3A_73 : i32
      %lt3A_75 = arith.constant 80 : i32
      %lt3A_76 = arith.cmpi slt, %add3A_74, %lt3A_75 : i32
      %convert_element_type3A_77 = arith.extui %lt3A_76 : i1 to i32
      %cond3A_78 = arith.constant 0 : i32
      %cond3A_79 = arith.cmpi ne, %convert_element_type3A_77, %cond3A_78 : i32
      scf.if %cond3A_79 {
        %add3A_93 = arith.constant 2 : i32
        %add3A_94 = arith.addi %mul3A_54, %add3A_93 : i32
        %dma_wait3A_95 = arith.constant 0 : i32
        %dma_wait3A_96 = tpu.memref_slice %arg3[%add3A, %add3A_94, %dma_wait3A_95] : memref<32x80x125xi32, #tpu.memory_space<hbm>> -> memref<1x1x125xi32, #tpu.memory_space<hbm>>
        %dma_wait3A_97 = tpu.memref_squeeze %dma_wait3A_96 : memref<1x1x125xi32, #tpu.memory_space<hbm>> -> memref<125xi32, #tpu.memory_space<hbm>>
        %dma_wait3A_98 = arith.constant 0 : i32
        %dma_wait3A_99 = tpu.memref_slice %arg3[%add3A, %add3A_94, %dma_wait3A_98] : memref<32x80x125xi32, #tpu.memory_space<hbm>> -> memref<1x1x125xi32, #tpu.memory_space<hbm>>
        %dma_wait3A_100 = tpu.memref_squeeze %dma_wait3A_99 : memref<1x1x125xi32, #tpu.memory_space<hbm>> -> memref<125xi32, #tpu.memory_space<hbm>>
        tpu.wait_dma2 semaphore(%arg14 : memref<!tpu.dma_semaphore, #tpu.memory_space<semaphore_mem>>) src(%dma_wait3A_100 : memref<125xi32, #tpu.memory_space<hbm>>) dst(%arg6 : memref<125xi32, #tpu.memory_space<vmem>>)
        %dma_start3A_101 = arith.constant 0 : i32
        %dma_start3A_102 = arith.constant 0 : i32
        %dma_start3A_103 = tpu.memref_slice %arg2[%dma_start3A_101, %dma_start3A_102] : memref<10000x128xf32, #tpu.memory_space<hbm>> -> memref<10000x128xf32, #tpu.memory_space<hbm>>
        tpu.enqueue_indirect_dma source(%dma_start3A_103 : memref<10000x128xf32, #tpu.memory_space<hbm>>) target(%arg9 : memref<125x128xf32, #tpu.memory_space<vmem>>) offsets(%arg6 : memref<125xi32, #tpu.memory_space<vmem>>) semaphore(%arg12 : memref<!tpu.dma_semaphore, #tpu.memory_space<semaphore_mem>>)
      } else {
      }
      %dma_wait3A_80 = arith.constant 0 : i32
      %dma_wait3A_81 = arith.constant 0 : i32
      %dma_wait3A_82 = tpu.memref_slice %arg2[%dma_wait3A_80, %dma_wait3A_81] : memref<10000x128xf32, #tpu.memory_space<hbm>> -> memref<10000x128xf32, #tpu.memory_space<hbm>>
      tpu.wait_indirect_dma semaphore(%arg13 : memref<!tpu.dma_semaphore, #tpu.memory_space<semaphore_mem>>) src(%dma_wait3A_82 : memref<10000x128xf32, #tpu.memory_space<hbm>>) dst(%arg10 : memref<125x128xf32, #tpu.memory_space<vmem>>)
      %add3A_83 = arith.constant 3 : i32
      %add3A_84 = arith.addi %mul3A_54, %add3A_83 : i32
      %lt3A_85 = arith.constant 80 : i32
      %lt3A_86 = arith.cmpi slt, %add3A_84, %lt3A_85 : i32
      %convert_element_type3A_87 = arith.extui %lt3A_86 : i1 to i32
      %cond3A_88 = arith.constant 0 : i32
      %cond3A_89 = arith.cmpi ne, %convert_element_type3A_87, %cond3A_88 : i32
      scf.if %cond3A_89 {
        %add3A_93 = arith.constant 3 : i32
        %add3A_94 = arith.addi %mul3A_54, %add3A_93 : i32
        %dma_start3A_95 = arith.constant 0 : i32
        %dma_start3A_96 = tpu.memref_slice %arg3[%add3A, %add3A_94, %dma_start3A_95] : memref<32x80x125xi32, #tpu.memory_space<hbm>> -> memref<1x1x125xi32, #tpu.memory_space<hbm>>
        %dma_start3A_97 = tpu.memref_squeeze %dma_start3A_96 : memref<1x1x125xi32, #tpu.memory_space<hbm>> -> memref<125xi32, #tpu.memory_space<hbm>>
        %dma_start3A_98 = arith.constant 0 : i32
        %dma_start3A_99 = tpu.memref_slice %arg3[%add3A, %add3A_94, %dma_start3A_98] : memref<32x80x125xi32, #tpu.memory_space<hbm>> -> memref<1x1x125xi32, #tpu.memory_space<hbm>>
        %dma_start3A_100 = tpu.memref_squeeze %dma_start3A_99 : memref<1x1x125xi32, #tpu.memory_space<hbm>> -> memref<125xi32, #tpu.memory_space<hbm>>
        tpu.enqueue_dma source(%dma_start3A_100 : memref<125xi32, #tpu.memory_space<hbm>>) target(%arg7 : memref<125xi32, #tpu.memory_space<vmem>>) target_semaphore(%arg15 : memref<!tpu.dma_semaphore, #tpu.memory_space<semaphore_mem>>)
      } else {
      }
      %add3A_90 = arith.constant 1 : i32
      %add3A_91 = arith.addi %mul3A_54, %add3A_90 : i32
      "tpu.region"() ({
        %run_scoped3A = tpu.sem_alloc : memref<!tpu.dma_semaphore, #tpu.memory_space<semaphore_mem>>
        %dma_start3A_93 = arith.constant 0 : i32
        %dma_start3A_94 = tpu.memref_slice %arg8[%add3A_91, %dma_start3A_93] : memref<80x125xi32, #tpu.memory_space<vmem>> -> memref<1x125xi32, #tpu.memory_space<vmem>>
        %dma_start3A_95 = tpu.memref_squeeze %dma_start3A_94 : memref<1x125xi32, #tpu.memory_space<vmem>> -> memref<125xi32, #tpu.memory_space<vmem>>
        %dma_start3A_96 = arith.constant 0 : i32
        %dma_start3A_97 = arith.constant 0 : i32
        %dma_start3A_98 = tpu.memref_slice %arg11[%dma_start3A_96, %dma_start3A_97] : memref<10240x128xf32, #tpu.memory_space<vmem_shared>> -> memref<10240x128xf32, #tpu.memory_space<vmem_shared>>
        tpu.enqueue_indirect_dma source(%arg10 : memref<125x128xf32, #tpu.memory_space<vmem>>) target(%dma_start3A_98 : memref<10240x128xf32, #tpu.memory_space<vmem_shared>>) offsets(%dma_start3A_95 : memref<125xi32, #tpu.memory_space<vmem>>) semaphore(%run_scoped3A : memref<!tpu.dma_semaphore, #tpu.memory_space<semaphore_mem>>) {add = true}
        %dma_wait3A_99 = arith.constant 0 : i32
        %dma_wait3A_100 = tpu.memref_slice %arg8[%add3A_91, %dma_wait3A_99] : memref<80x125xi32, #tpu.memory_space<vmem>> -> memref<1x125xi32, #tpu.memory_space<vmem>>
        %dma_wait3A_101 = tpu.memref_squeeze %dma_wait3A_100 : memref<1x125xi32, #tpu.memory_space<vmem>> -> memref<125xi32, #tpu.memory_space<vmem>>
        %dma_wait3A_102 = arith.constant 0 : i32
        %dma_wait3A_103 = arith.constant 0 : i32
        %dma_wait3A_104 = tpu.memref_slice %arg11[%dma_wait3A_102, %dma_wait3A_103] : memref<10240x128xf32, #tpu.memory_space<vmem_shared>> -> memref<10240x128xf32, #tpu.memory_space<vmem_shared>>
        tpu.wait_indirect_dma semaphore(%run_scoped3A : memref<!tpu.dma_semaphore, #tpu.memory_space<semaphore_mem>>) src(%arg10 : memref<125x128xf32, #tpu.memory_space<vmem>>) dst(%dma_wait3A_104 : memref<10240x128xf32, #tpu.memory_space<vmem_shared>>)
        tpu.yield
      }) : () -> ()
      %scan3A_92 = arith.constant 0 : i32
      scf.yield %scan3A_92 : i32
    }
    %scan3A_42 = arith.constant 40 : i32
    %barrier3A_43 = arith.constant 0 : index
    tpu.barrier barrier_id(%barrier3A_43)
    %scan3A_44 = arith.constant 0 : i32
    %scan3A_45 = arith.constant 0 : i32
    %scan3A_46 = arith.constant 8 : i32
    %scan3A_47 = arith.addi %scan3A_45, %scan3A_46 : i32
    %scan3A_48 = arith.constant 1 : i32
    %scan3A_49 = scf.for %scan3A_51 = %scan3A_45 to %scan3A_47 step %scan3A_48 iter_args(%scan3A_52 = %scan3A_44) -> (i32)  : i32 {
      %mul3A_53 = arith.constant 640 : i32
      %mul3A_54 = arith.muli %arg1, %mul3A_53 : i32
      %mul3A_55 = arith.constant 80 : i32
      %mul3A_56 = arith.muli %scan3A_51, %mul3A_55 : i32
      %add3A_57 = arith.addi %mul3A_54, %mul3A_56 : i32
      "tpu.region"() ({
        %run_scoped3A = tpu.sem_alloc : memref<!tpu.dma_semaphore, #tpu.memory_space<semaphore_mem>>
        %dma_start3A_59 = arith.constant 0 : i32
        %dma_start3A_60 = tpu.memref_slice %arg5[%arg0, %add3A_57, %dma_start3A_59] : memref<2x10240x128xf32, #tpu.memory_space<hbm>> -> memref<1x80x128xf32, #tpu.memory_space<hbm>>
        %dma_start3A_61 = tpu.memref_squeeze %dma_start3A_60 : memref<1x80x128xf32, #tpu.memory_space<hbm>> -> memref<80x128xf32, #tpu.memory_space<hbm>>
        %dma_start3A_62 = arith.constant 0 : i32
        %dma_start3A_63 = tpu.memref_slice %arg11[%add3A_57, %dma_start3A_62] : memref<10240x128xf32, #tpu.memory_space<vmem_shared>> -> memref<80x128xf32, #tpu.memory_space<vmem_shared>>
        tpu.enqueue_dma source(%dma_start3A_63 : memref<80x128xf32, #tpu.memory_space<vmem_shared>>) target(%dma_start3A_61 : memref<80x128xf32, #tpu.memory_space<hbm>>) target_semaphore(%run_scoped3A : memref<!tpu.dma_semaphore, #tpu.memory_space<semaphore_mem>>)
        %dma_wait3A_64 = arith.constant 0 : i32
        %dma_wait3A_65 = tpu.memref_slice %arg5[%arg0, %add3A_57, %dma_wait3A_64] : memref<2x10240x128xf32, #tpu.memory_space<hbm>> -> memref<1x80x128xf32, #tpu.memory_space<hbm>>
        %dma_wait3A_66 = tpu.memref_squeeze %dma_wait3A_65 : memref<1x80x128xf32, #tpu.memory_space<hbm>> -> memref<80x128xf32, #tpu.memory_space<hbm>>
        %dma_wait3A_67 = arith.constant 0 : i32
        %dma_wait3A_68 = tpu.memref_slice %arg11[%add3A_57, %dma_wait3A_67] : memref<10240x128xf32, #tpu.memory_space<vmem_shared>> -> memref<80x128xf32, #tpu.memory_space<vmem_shared>>
        tpu.wait_dma2 semaphore(%run_scoped3A : memref<!tpu.dma_semaphore, #tpu.memory_space<semaphore_mem>>) src(%dma_wait3A_68 : memref<80x128xf32, #tpu.memory_space<vmem_shared>>) dst(%dma_wait3A_66 : memref<80x128xf32, #tpu.memory_space<hbm>>)
        tpu.yield
      }) : () -> ()
      %scan3A_58 = arith.constant 0 : i32
      scf.yield %scan3A_58 : i32
    }
    %scan3A_50 = arith.constant 8 : i32
    return
  }
}

module attributes {stable_mosaic.version = 14 : i64} {
  func.func @_g_body(%arg0: i32, %arg1: memref<1000x2xf32, #tpu.memory_space<vmem>>, %arg2: memref<1000x128xf32, #tpu.memory_space<vmem>>, %arg3: memref<128x128xf32, #tpu.memory_space<vmem>>, %arg4: memref<1000x128xf32, #tpu.memory_space<vmem>>) attributes {dimension_semantics = [#tpu.dimension_semantics<arbitrary>], iteration_bounds = array<i64: 10>, scalar_prefetch = 0 : i64, scratch_operands = 0 : i64, tpu.core_type = #tpu.core_type<tc>, window_params = [{transform_indices = @transform_0, window_bounds = array<i64: 1000, 2>}, {transform_indices = @transform_1, window_bounds = array<i64: 1000, 128>}, {pipeline_mode = #tpu.pipeline_mode<synchronous>, transform_indices = @transform_2, window_bounds = array<i64: 128, 128>}, {transform_indices = @transform_3, window_bounds = array<i64: 1000, 128>}]} {
    %get3A = arith.constant 0 : index
    %get3A_0 = arith.constant 0 : index
    %get3A_1 = vector.load %arg1[%get3A, %get3A_0] : memref<1000x2xf32, #tpu.memory_space<vmem>>, vector<1000x1xf32>
    %get3A_2 = vector.shape_cast %get3A_1 : vector<1000x1xf32> to vector<1000xf32>
    %get3A_3 = arith.constant 0 : index
    %get3A_4 = arith.constant 1 : index
    %get3A_5 = vector.load %arg1[%get3A_3, %get3A_4] : memref<1000x2xf32, #tpu.memory_space<vmem>>, vector<1000x1xf32>
    %get3A_6 = vector.shape_cast %get3A_5 : vector<1000x1xf32> to vector<1000xf32>
    %add3A = arith.addf %get3A_2, %get3A_6 : vector<1000xf32>
    %add3A_7 = arith.constant 1.000000e+00 : f32
    %add3A_8 = vector.broadcast %add3A_7 : f32 to vector<1000xf32>
    %add3A_9 = arith.addf %add3A, %add3A_8 : vector<1000xf32>
    %rsqrt3A = math.rsqrt %add3A_9 : vector<1000xf32>
    %get3A_10 = arith.constant 0 : index
    %get3A_11 = arith.constant 0 : index
    %get3A_12 = vector.load %arg2[%get3A_10, %get3A_11] : memref<1000x128xf32, #tpu.memory_space<vmem>>, vector<1000x128xf32>
    %get3A_13 = arith.constant 0 : index
    %get3A_14 = arith.constant 0 : index
    %get3A_15 = vector.load %arg3[%get3A_13, %get3A_14] : memref<128x128xf32, #tpu.memory_space<vmem>>, vector<128x128xf32>
    %dot_general3A = arith.constant dense<0.000000e+00> : vector<1000x128xf32>
    %dot_general3A_16 = tpu.matmul %get3A_12, %get3A_15, %dot_general3A {dimension_numbers = #tpu.dot_dimension_numbers<[1], [0], [0], [1], [0, 0, 1, 1], [], []>, transpose_lhs_hint = false} : vector<1000x128xf32>, vector<128x128xf32>, vector<1000x128xf32> -> vector<1000x128xf32>
    %broadcast_in_dim3A = vector.shape_cast %rsqrt3A : vector<1000xf32> to vector<1000x1xf32>
    %mul3A = vector.broadcast %broadcast_in_dim3A : vector<1000x1xf32> to vector<1000x128xf32>
    %mul3A_17 = arith.mulf %dot_general3A_16, %mul3A : vector<1000x128xf32>
    %swap3A = arith.constant 0 : index
    %swap3A_18 = arith.constant 0 : index
    %swap3A_19 = vector.load %arg4[%swap3A, %swap3A_18] : memref<1000x128xf32, #tpu.memory_space<vmem>>, vector<1000x128xf32>
    tpu.vector_store %arg4[%swap3A, %swap3A_18], %mul3A_17 {strides = array<i32>} : memref<1000x128xf32, #tpu.memory_space<vmem>>, vector<1000x128xf32>,
    return
  }
  func.func @transform_0(%arg0: i32) -> (i32, i32) {
    %c0_i32 = arith.constant 0 : i32
    %c0_i32_0 = arith.constant 0 : i32
    return %arg0, %c0_i32 : i32, i32
  }
  func.func @transform_1(%arg0: i32) -> (i32, i32) {
    %c0_i32 = arith.constant 0 : i32
    %c0_i32_0 = arith.constant 0 : i32
    return %arg0, %c0_i32 : i32, i32
  }
  func.func @transform_2(%arg0: i32) -> (i32, i32) {
    %c0_i32 = arith.constant 0 : i32
    %c0_i32_0 = arith.constant 0 : i32
    %c0_i32_1 = arith.constant 0 : i32
    return %c0_i32, %c0_i32_0 : i32, i32
  }
  func.func @transform_3(%arg0: i32) -> (i32, i32) {
    %c0_i32 = arith.constant 0 : i32
    %c0_i32_0 = arith.constant 0 : i32
    return %arg0, %c0_i32 : i32, i32
  }
}

module attributes {stable_mosaic.version = 14 : i64} {
  func.func @_fin_body(%arg0: i32, %arg1: memref<1000x2xf32, #tpu.memory_space<vmem>>, %arg2: memref<2x1000x128xf32, #tpu.memory_space<vmem>>, %arg3: memref<1000x128xf32, #tpu.memory_space<vmem>>, %arg4: memref<128xf32, #tpu.memory_space<vmem>>, %arg5: memref<128x256xf32, #tpu.memory_space<vmem>>, %arg6: memref<256xf32, #tpu.memory_space<vmem>>, %arg7: memref<256x128xf32, #tpu.memory_space<vmem>>, %arg8: memref<128xf32, #tpu.memory_space<vmem>>, %arg9: memref<128x10xf32, #tpu.memory_space<vmem>>, %arg10: memref<10xf32, #tpu.memory_space<vmem>>, %arg11: memref<1x10xf32, #tpu.memory_space<vmem>>, %arg12: memref<8x128xf32, #tpu.memory_space<vmem>>) attributes {dimension_semantics = [#tpu.dimension_semantics<arbitrary>], iteration_bounds = array<i64: 10>, scalar_prefetch = 0 : i64, scratch_operands = 1 : i64, tpu.core_type = #tpu.core_type<tc>, window_params = [{transform_indices = @transform_0, window_bounds = array<i64: 1000, 2>}, {transform_indices = @transform_1, window_bounds = array<i64: 2, 1000, 128>}, {transform_indices = @transform_2, window_bounds = array<i64: 1000, 128>}, {pipeline_mode = #tpu.pipeline_mode<synchronous>, transform_indices = @transform_3, window_bounds = array<i64: 128>}, {pipeline_mode = #tpu.pipeline_mode<synchronous>, transform_indices = @transform_4, window_bounds = array<i64: 128, 256>}, {pipeline_mode = #tpu.pipeline_mode<synchronous>, transform_indices = @transform_5, window_bounds = array<i64: 256>}, {pipeline_mode = #tpu.pipeline_mode<synchronous>, transform_indices = @transform_6, window_bounds = array<i64: 256, 128>}, {pipeline_mode = #tpu.pipeline_mode<synchronous>, transform_indices = @transform_7, window_bounds = array<i64: 128>}, {pipeline_mode = #tpu.pipeline_mode<synchronous>, transform_indices = @transform_8, window_bounds = array<i64: 128, 10>}, {pipeline_mode = #tpu.pipeline_mode<synchronous>, transform_indices = @transform_9, window_bounds = array<i64: 10>}, {pipeline_mode = #tpu.pipeline_mode<synchronous>, transform_indices = @transform_10, window_bounds = array<i64: 1, 10>}]} {
    %get3A = arith.constant 0 : index
    %get3A_0 = arith.constant 0 : index
    %get3A_1 = vector.load %arg1[%get3A, %get3A_0] : memref<1000x2xf32, #tpu.memory_space<vmem>>, vector<1000x1xf32>
    %get3A_2 = vector.shape_cast %get3A_1 : vector<1000x1xf32> to vector<1000xf32>
    %get3A_3 = arith.constant 0 : index
    %get3A_4 = arith.constant 1 : index
    %get3A_5 = vector.load %arg1[%get3A_3, %get3A_4] : memref<1000x2xf32, #tpu.memory_space<vmem>>, vector<1000x1xf32>
    %get3A_6 = vector.shape_cast %get3A_5 : vector<1000x1xf32> to vector<1000xf32>
    %add3A = arith.addf %get3A_2, %get3A_6 : vector<1000xf32>
    %add3A_7 = arith.constant 1.000000e+00 : f32
    %add3A_8 = vector.broadcast %add3A_7 : f32 to vector<1000xf32>
    %add3A_9 = arith.addf %add3A, %add3A_8 : vector<1000xf32>
    %rsqrt3A = math.rsqrt %add3A_9 : vector<1000xf32>
    %get3A_10 = arith.constant 0 : index
    %get3A_11 = arith.constant 0 : index
    %get3A_12 = arith.constant 0 : index
    %get3A_13 = vector.load %arg2[%get3A_10, %get3A_11, %get3A_12] : memref<2x1000x128xf32, #tpu.memory_space<vmem>>, vector<1x1000x128xf32>
    %get3A_14 = vector.shape_cast %get3A_13 : vector<1x1000x128xf32> to vector<1000x128xf32>
    %get3A_15 = arith.constant 1 : index
    %get3A_16 = arith.constant 0 : index
    %get3A_17 = arith.constant 0 : index
    %get3A_18 = vector.load %arg2[%get3A_15, %get3A_16, %get3A_17] : memref<2x1000x128xf32, #tpu.memory_space<vmem>>, vector<1x1000x128xf32>
    %get3A_19 = vector.shape_cast %get3A_18 : vector<1x1000x128xf32> to vector<1000x128xf32>
    %add3A_20 = arith.addf %get3A_14, %get3A_19 : vector<1000x128xf32>
    %get3A_21 = arith.constant 0 : index
    %get3A_22 = arith.constant 0 : index
    %get3A_23 = vector.load %arg3[%get3A_21, %get3A_22] : memref<1000x128xf32, #tpu.memory_space<vmem>>, vector<1000x128xf32>
    %add3A_24 = arith.addf %add3A_20, %get3A_23 : vector<1000x128xf32>
    %broadcast_in_dim3A = vector.shape_cast %rsqrt3A : vector<1000xf32> to vector<1000x1xf32>
    %mul3A = vector.broadcast %broadcast_in_dim3A : vector<1000x1xf32> to vector<1000x128xf32>
    %mul3A_25 = arith.mulf %add3A_24, %mul3A : vector<1000x128xf32>
    %get3A_26 = arith.constant 0 : index
    %get3A_27 = vector.load %arg4[%get3A_26] : memref<128xf32, #tpu.memory_space<vmem>>, vector<128xf32>
    %broadcast_in_dim3A_28 = vector.shape_cast %get3A_27 : vector<128xf32> to vector<1x128xf32>
    %add3A_29 = vector.broadcast %broadcast_in_dim3A_28 : vector<1x128xf32> to vector<1000x128xf32>
    %add3A_30 = arith.addf %mul3A_25, %add3A_29 : vector<1000x128xf32>
    %max3A = arith.constant 0.000000e+00 : f32
    %max3A_31 = vector.broadcast %max3A : f32 to vector<1000x128xf32>
    %max3A_32 = arith.maximumf %add3A_30, %max3A_31 : vector<1000x128xf32>
    %reduce_max3A = arith.constant dense<0xFF800000> : vector<128xf32>
    %reduce_max3A_33 = vector.multi_reduction <maximumf>, %max3A_32, %reduce_max3A [0] : vector<1000x128xf32> to vector<128xf32>
    %broadcast_in_dim3A_34 = vector.shape_cast %reduce_max3A_33 : vector<128xf32> to vector<1x128xf32>
    %eq3A = arith.constant 0 : i32
    %eq3A_35 = arith.cmpi eq, %arg0, %eq3A : i32
    %convert_element_type3A = arith.extui %eq3A_35 : i1 to i32
    %cond3A = arith.constant 0 : i32
    %cond3A_36 = arith.cmpi ne, %convert_element_type3A, %cond3A : i32
    scf.if %cond3A_36 {
      %broadcast_in_dim3A_50 = arith.constant 0.000000e+00 : f32
      %broadcast_in_dim3A_51 = vector.broadcast %broadcast_in_dim3A_50 : f32 to vector<8x128xf32>
      %swap3A_52 = arith.constant 0 : index
      %swap3A_53 = arith.constant 0 : index
      %swap3A_54 = vector.load %arg12[%swap3A_52, %swap3A_53] : memref<8x128xf32, #tpu.memory_space<vmem>>, vector<8x128xf32>
      tpu.vector_store %arg12[%swap3A_52, %swap3A_53], %broadcast_in_dim3A_51 {strides = array<i32>} : memref<8x128xf32, #tpu.memory_space<vmem>>, vector<8x128xf32>,
    } else {
    }
    %get3A_37 = arith.constant 0 : index
    %get3A_38 = arith.constant 0 : index
    %get3A_39 = vector.load %arg12[%get3A_37, %get3A_38] : memref<8x128xf32, #tpu.memory_space<vmem>>, vector<8x128xf32>
    %broadcast_in_dim3A_40 = vector.shape_cast %broadcast_in_dim3A_34 : vector<1x128xf32> to vector<1x128xf32>
    %broadcast_in_dim3A_41 = vector.broadcast %broadcast_in_dim3A_40 : vector<1x128xf32> to vector<8x128xf32>
    %max3A_42 = arith.maximumf %get3A_39, %broadcast_in_dim3A_41 : vector<8x128xf32>
    %swap3A = arith.constant 0 : index
    %swap3A_43 = arith.constant 0 : index
    %swap3A_44 = vector.load %arg12[%swap3A, %swap3A_43] : memref<8x128xf32, #tpu.memory_space<vmem>>, vector<8x128xf32>
    tpu.vector_store %arg12[%swap3A, %swap3A_43], %max3A_42 {strides = array<i32>} : memref<8x128xf32, #tpu.memory_space<vmem>>, vector<8x128xf32>,
    %eq3A_45 = arith.constant 9 : i32
    %eq3A_46 = arith.cmpi eq, %arg0, %eq3A_45 : i32
    %convert_element_type3A_47 = arith.extui %eq3A_46 : i1 to i32
    %cond3A_48 = arith.constant 0 : i32
    %cond3A_49 = arith.cmpi ne, %convert_element_type3A_47, %cond3A_48 : i32
    scf.if %cond3A_49 {
      %get3A_50 = arith.constant 0 : index
      %get3A_51 = arith.constant 0 : index
      %get3A_52 = vector.load %arg12[%get3A_50, %get3A_51] : memref<8x128xf32, #tpu.memory_space<vmem>>, vector<1x128xf32>
      %get3A_53 = arith.constant 0 : index
      %get3A_54 = arith.constant 0 : index
      %get3A_55 = vector.load %arg5[%get3A_53, %get3A_54] : memref<128x256xf32, #tpu.memory_space<vmem>>, vector<128x256xf32>
      %dot_general3A = arith.constant dense<0.000000e+00> : vector<1x256xf32>
      %dot_general3A_56 = tpu.matmul %get3A_52, %get3A_55, %dot_general3A {dimension_numbers = #tpu.dot_dimension_numbers<[1], [0], [0], [1], [0, 0, 1, 1], [], []>, transpose_lhs_hint = false} : vector<1x128xf32>, vector<128x256xf32>, vector<1x256xf32> -> vector<1x256xf32>
      %get3A_57 = arith.constant 0 : index
      %get3A_58 = vector.load %arg6[%get3A_57] : memref<256xf32, #tpu.memory_space<vmem>>, vector<256xf32>
      %broadcast_in_dim3A_59 = vector.shape_cast %get3A_58 : vector<256xf32> to vector<1x256xf32>
      %add3A_60 = arith.addf %dot_general3A_56, %broadcast_in_dim3A_59 : vector<1x256xf32>
      %max3A_61 = arith.constant 0.000000e+00 : f32
      %max3A_62 = vector.broadcast %max3A_61 : f32 to vector<1x256xf32>
      %max3A_63 = arith.maximumf %add3A_60, %max3A_62 : vector<1x256xf32>
      %get3A_64 = arith.constant 0 : index
      %get3A_65 = arith.constant 0 : index
      %get3A_66 = vector.load %arg7[%get3A_64, %get3A_65] : memref<256x128xf32, #tpu.memory_space<vmem>>, vector<256x128xf32>
      %dot_general3A_67 = arith.constant dense<0.000000e+00> : vector<1x128xf32>
      %dot_general3A_68 = tpu.matmul %max3A_63, %get3A_66, %dot_general3A_67 {dimension_numbers = #tpu.dot_dimension_numbers<[1], [0], [0], [1], [0, 0, 1, 1], [], []>, transpose_lhs_hint = false} : vector<1x256xf32>, vector<256x128xf32>, vector<1x128xf32> -> vector<1x128xf32>
      %get3A_69 = arith.constant 0 : index
      %get3A_70 = vector.load %arg8[%get3A_69] : memref<128xf32, #tpu.memory_space<vmem>>, vector<128xf32>
      %broadcast_in_dim3A_71 = vector.shape_cast %get3A_70 : vector<128xf32> to vector<1x128xf32>
      %add3A_72 = arith.addf %dot_general3A_68, %broadcast_in_dim3A_71 : vector<1x128xf32>
      %max3A_73 = arith.constant 0.000000e+00 : f32
      %max3A_74 = vector.broadcast %max3A_73 : f32 to vector<1x128xf32>
      %max3A_75 = arith.maximumf %add3A_72, %max3A_74 : vector<1x128xf32>
      %get3A_76 = arith.constant 0 : index
      %get3A_77 = arith.constant 0 : index
      %get3A_78 = vector.load %arg9[%get3A_76, %get3A_77] : memref<128x10xf32, #tpu.memory_space<vmem>>, vector<128x10xf32>
      %dot_general3A_79 = arith.constant dense<0.000000e+00> : vector<1x10xf32>
      %dot_general3A_80 = tpu.matmul %max3A_75, %get3A_78, %dot_general3A_79 {dimension_numbers = #tpu.dot_dimension_numbers<[1], [0], [0], [1], [0, 0, 1, 1], [], []>, transpose_lhs_hint = false} : vector<1x128xf32>, vector<128x10xf32>, vector<1x10xf32> -> vector<1x10xf32>
      %get3A_81 = arith.constant 0 : index
      %get3A_82 = vector.load %arg10[%get3A_81] : memref<10xf32, #tpu.memory_space<vmem>>, vector<10xf32>
      %broadcast_in_dim3A_83 = vector.shape_cast %get3A_82 : vector<10xf32> to vector<1x10xf32>
      %add3A_84 = arith.addf %dot_general3A_80, %broadcast_in_dim3A_83 : vector<1x10xf32>
      %swap3A_85 = arith.constant 0 : index
      %swap3A_86 = arith.constant 0 : index
      %swap3A_87 = vector.load %arg11[%swap3A_85, %swap3A_86] : memref<1x10xf32, #tpu.memory_space<vmem>>, vector<1x10xf32>
      tpu.vector_store %arg11[%swap3A_85, %swap3A_86], %add3A_84 {strides = array<i32>} : memref<1x10xf32, #tpu.memory_space<vmem>>, vector<1x10xf32>,
    } else {
    }
    return
  }
  func.func @transform_0(%arg0: i32) -> (i32, i32) {
    %c0_i32 = arith.constant 0 : i32
    %c0_i32_0 = arith.constant 0 : i32
    return %arg0, %c0_i32 : i32, i32
  }
  func.func @transform_1(%arg0: i32) -> (i32, i32, i32) {
    %c0_i32 = arith.constant 0 : i32
    %c0_i32_0 = arith.constant 0 : i32
    %c0_i32_1 = arith.constant 0 : i32
    return %c0_i32, %arg0, %c0_i32_0 : i32, i32, i32
  }
  func.func @transform_2(%arg0: i32) -> (i32, i32) {
    %c0_i32 = arith.constant 0 : i32
    %c0_i32_0 = arith.constant 0 : i32
    return %arg0, %c0_i32 : i32, i32
  }
  func.func @transform_3(%arg0: i32) -> i32 {
    %c0_i32 = arith.constant 0 : i32
    %c0_i32_0 = arith.constant 0 : i32
    return %c0_i32 : i32
  }
  func.func @transform_4(%arg0: i32) -> (i32, i32) {
    %c0_i32 = arith.constant 0 : i32
    %c0_i32_0 = arith.constant 0 : i32
    %c0_i32_1 = arith.constant 0 : i32
    return %c0_i32, %c0_i32_0 : i32, i32
  }
  func.func @transform_5(%arg0: i32) -> i32 {
    %c0_i32 = arith.constant 0 : i32
    %c0_i32_0 = arith.constant 0 : i32
    return %c0_i32 : i32
  }
  func.func @transform_6(%arg0: i32) -> (i32, i32) {
    %c0_i32 = arith.constant 0 : i32
    %c0_i32_0 = arith.constant 0 : i32
    %c0_i32_1 = arith.constant 0 : i32
    return %c0_i32, %c0_i32_0 : i32, i32
  }
  func.func @transform_7(%arg0: i32) -> i32 {
    %c0_i32 = arith.constant 0 : i32
    %c0_i32_0 = arith.constant 0 : i32
    return %c0_i32 : i32
  }
  func.func @transform_8(%arg0: i32) -> (i32, i32) {
    %c0_i32 = arith.constant 0 : i32
    %c0_i32_0 = arith.constant 0 : i32
    %c0_i32_1 = arith.constant 0 : i32
    return %c0_i32, %c0_i32_0 : i32, i32
  }
  func.func @transform_9(%arg0: i32) -> i32 {
    %c0_i32 = arith.constant 0 : i32
    %c0_i32_0 = arith.constant 0 : i32
    return %c0_i32 : i32
  }
  func.func @transform_10(%arg0: i32) -> (i32, i32) {
    %c0_i32 = arith.constant 0 : i32
    %c0_i32_0 = arith.constant 0 : i32
    %c0_i32_1 = arith.constant 0 : i32
    return %c0_i32, %c0_i32_0 : i32, i32
  }
}

</mosaic_0001>

<sc_bundles>
// kernel: kernel.6.cloned.1.call-start
scs
__scs_entry_jumppad:
0x0: {  	(pc) =	sbr.rel $0x88, $3  }
0x1: {  	(tag) =	ssettag $0x0;
	lr =	simm.s32 $0x1  }
0x2: {  	[smem:$0x3F97] =	sst lr;
	_ =	strace $0xD0000000  }
0x3: {  	_ = 	snop  }
0x4: {  	_ = 	snop  }
0x5: {  	_ = 	snop  }
0x6: {  	_ = 	snop  }
0x7: {  	_ = 	snop  }
__scs_overlays_trampoline_lowered:
0x8: {  	[smem:$0x3FA6] =	sst s0  }
0x9: {  	[smem:$0x3FA7] =	sst s1  }
0xa: {  	[smem:$0x3FA8] =	sst s2  }
0xb: {  	[smem:$0x3FA9] =	sst s3  }
0xc: {  	[smem:$0x3FAA] =	sst s4  }
0xd: {  	[smem:$0x3FAB] =	sst s5  }
0xe: {  	[smem:$0x3FAC] =	sst s6  }
0xf: {  	[smem:$0x3FAD] =	sst s7  }
0x10: {  	[smem:$0x3FAE] =	sst s8  }
0x11: {  	[smem:$0x3FAF] =	sst s9;
	s0 =	simm.s32 @!p0 $0x0  }
0x12: {  	s1 =	sld [smem:$0x3F95];
	s0 =	simm.s32 @p0 $0x1  }
0x13: {  	[smem:$0x3FB0] =	sst s0;
	s0 =	simm.s32 @!p1 $0x0  }
0x14: {  	s2 =	sld [smem:$0x3F94];
	s0 =	simm.s32 @p1 $0x1  }
0x15: {  	[smem:$0x3FB1] =	sst s0;
	s0 =	simm.s32 @!p2 $0x0  }
0x16: {  	s3 =	sld [smem:$0x3FDB];
	s0 =	simm.s32 @p2 $0x1  }
0x17: {  	s4 =	simm.s32 $0x1BF5;
	[smem:$0x3FB3] =	sst s0  }
0x18: {  	s0 =	sld [smem:$0x3F96];
	_ =	swait.ge [sflag:s4], $0x0  }
0x19: {  	s7 =	sld [smem:$0x3F97]  }
0x1a: {  	s8 =	sadd.s32 $0xFFFFE003, lr  }
0x1b: {  	s9 =	sadd.s32 $0xFFFFFEF7, lr;
	s5 =	simm.s32 $0xFFFFFFFF;
	p2 =	slt.u32 s8, $0xFFFFF086  }
0x1c: {  	p1 =	slt.u32 s9, $0xF7A;
	s5 =	simm.s32 @!p2 $0x0  }
0x1d: {  	s5 =	simm.s32 @p1 $0x1;
	p0 =	seq.s32 s7, s2  }
0x1e: {  	s7 =	smul.u32 @!p0 $0xF7A, s2;
	p2 =	seq.s32 @!p0 s5, $0x0  }
0x1f: {  	s9 =	smul.u32 $0xF7A, s1;
	s8 =	simm.s32 @!p0 $0x1BF5;
	p2 =	por !p2, p0  }
0x20: {  	[sflag:s8] =	ssyncset.s32 @!p0 $0xFFFFF086;
	s6 =	sadd.s32 @!p0 s3, s7;
	s7 =	simm.s32 @!p0 $0x108  }
0x21: {  	s3 =	sadd.s32 s3, s9;
	s6 =	sadd.s32 @!p0 $0x88, s6;
	s7 =	simm.s32 @p2 $0x1082  }
0x22: {  	[simem:s7], [sflag:s8] =	dma.local @!p0 [hbm:s6], $0xF7A  }
0x23: {  	s9 =	sor.u32 $0xD0000000, s2;
	s6 =	simm.s32 $0x108;
	_ =	swait.ge @!p0 [sflag:s8], $0x0  }
0x24: {  	s3 =	sadd.s32 $0x88, s3;
	s6 =	simm.s32 @!p1 $0x1082;
	[sflag:s4] =	ssyncset.s32 $0xFFFFF086  }
0x25: {  	[simem:s6], [sflag:s4] =	dma.local [hbm:s3], $0xF7A  }
0x26: {  	[smem:$0x3F97] =	sst s1;
	(tag) =	ssettag s2;
	_ =	strace s9  }
0x27: {  	s1 =	sld [smem:$0x3FA7]  }
0x28: {  	s2 =	sld [smem:$0x3FA8]  }
0x29: {  	s4 =	sld [smem:$0x3FAA]  }
0x2a: {  	p0 =	seq.s32 s5, $0x0;
	s5 =	sld [smem:$0x3FAB]  }
0x2b: {  	s6 =	sld [smem:$0x3FAC]  }
0x2c: {  	s7 =	sld [smem:$0x3FAD]  }
0x2d: {  	s3 =	simm.s32 $0x108;
	s8 =	sld [smem:$0x3FAE]  }
0x2e: {  	s3 =	simm.s32 @!p0 $0x1082;
	s9 =	sld [smem:$0x3FAF]  }
0x2f: {  	lr =	sadd.s32 s0, s3;
	s0 =	sld [smem:$0x3FA6]  }
0x30: {  	s3 =	sld [smem:$0x3FA9]  }
0x31: {  	[smem:$0x3FB2] =	sst s10  }
0x32: {  	s10 =	sld [smem:$0x3FB0];
	_ =	sdelay $0x3  }
0x33: {  	p0 =	seq.s32 s10, $0x1;
	s10 =	sld [smem:$0x3FB2];
	_ =	sdelay $0x3  }
0x34: {  	[smem:$0x3FB2] =	sst s10  }
0x35: {  	s10 =	sld [smem:$0x3FB1];
	_ =	sdelay $0x3  }
0x36: {  	p1 =	seq.s32 s10, $0x1;
	s10 =	sld [smem:$0x3FB2];
	_ =	sdelay $0x3  }
0x37: {  	[smem:$0x3FB2] =	sst s10  }
0x38: {  	s10 =	sld [smem:$0x3FB3]  }
0x39: {  	_ = 	snop;
	(pc) =	sbr.ind lr, $3  }
0x3a: {  	_ = 	snop  }
0x3b: {  	_ = 	snop  }
0x3c: {  	p2 =	seq.s32 s10, $0x1;
	s10 =	sld [smem:$0x3FB2]  }
0x3d: {  	_ =	shalt  }
0x3e: {  	_ =	shalt  }
0x3f: {  	_ =	shalt  }
0x40: {  	_ =	shalt  }
0x41: {  	_ =	shalt  }
0x42: {  	_ =	shalt  }
0x43: {  	_ =	shalt  }
0x44: {  	_ =	shalt  }
0x45: {  	_ =	shalt  }
0x46: {  	_ =	shalt  }
0x47: {  	_ =	shalt  }
0x48: {  	_ =	shalt  }
0x49: {  	_ =	shalt  }
0x4a: {  	_ =	shalt  }
0x4b: {  	_ =	shalt  }
0x4c: {  	_ =	shalt  }
0x4d: {  	_ =	shalt  }
0x4e: {  	_ =	shalt  }
0x4f: {  	_ =	shalt  }
0x50: {  	_ =	shalt  }
0x51: {  	_ =	shalt  }
0x52: {  	_ =	shalt  }
0x53: {  	_ =	shalt  }
0x54: {  	_ =	shalt  }
0x55: {  	_ =	shalt  }
0x56: {  	_ =	shalt  }
0x57: {  	_ =	shalt  }
0x58: {  	_ =	shalt  }
0x59: {  	_ =	shalt  }
0x5a: {  	_ =	shalt  }
0x5b: {  	_ =	shalt  }
0x5c: {  	_ =	shalt  }
0x5d: {  	_ =	shalt  }
0x5e: {  	_ =	shalt  }
0x5f: {  	_ =	shalt  }
0x60: {  	_ =	shalt  }
0x61: {  	_ =	shalt  }
0x62: {  	_ =	shalt  }
0x63: {  	_ =	shalt  }
0x64: {  	_ =	shalt  }
0x65: {  	_ =	shalt  }
0x66: {  	_ =	shalt  }
0x67: {  	_ =	shalt  }
0x68: {  	_ =	shalt  }
0x69: {  	_ =	shalt  }
0x6a: {  	_ =	shalt  }
0x6b: {  	_ =	shalt  }
0x6c: {  	_ =	shalt  }
0x6d: {  	_ =	shalt  }
0x6e: {  	_ =	shalt  }
0x6f: {  	_ =	shalt  }
0x70: {  	_ =	shalt  }
0x71: {  	_ =	shalt  }
0x72: {  	_ =	shalt  }
0x73: {  	_ =	shalt  }
0x74: {  	_ =	shalt  }
0x75: {  	_ =	shalt  }
0x76: {  	_ =	shalt  }
0x77: {  	_ =	shalt  }
0x78: {  	_ =	shalt  }
0x79: {  	_ =	shalt  }
0x7a: {  	_ =	shalt  }
0x7b: {  	_ =	shalt  }
0x7c: {  	_ =	shalt  }
0x7d: {  	_ =	shalt  }
0x7e: {  	_ =	shalt  }
0x7f: {  	_ =	shalt  }
0x80: {  	_ =	shalt  }
0x81: {  	_ =	shalt  }
0x82: {  	_ =	shalt  }
0x83: {  	_ =	shalt  }
0x84: {  	_ =	shalt  }
0x85: {  	_ =	shalt  }
0x86: {  	_ =	shalt  }
0x87: {  	_ =	shalt  }
.Lfunc_end0:
.L_simem_size_0:
called_computation_lowered:
.L_overlay_start_0:
0x88: {  	s2 =	sld [smem:$0x3FD9]  }
0x89: {  	s3 =	sld [smem:$0x3FFE];
	_ =	sdelay $0x1  }
0x8a: {  	s1 =	srdreg.scid  }
0x8b: {  	s0 =	sand.u32 $0x1, s1  }
0x8c: {  	s16 =	sshll.u32 s0, $0xA;
	s2 =	sadd.s32 s3, s2  }
0x8d: {  	s2 =	sadd.s32 s2, s16  }
0x8e: {  	[smem:$0x3FBE] =	sst s2  }
0x8f: {  	_ = 	snop  }
0x90: {  	(tm) =	ssettm $0x1  }
0x91: {  	s17 =	sld [smem:$0x3FFB];
	_ =	sdelay $0x3  }
0x92: {  	_ =	strace s17  }
0x93: {  	s2 =	sld [smem:$0x3FFC];
	_ =	sdelay $0x3  }
0x94: {  	_ =	strace s2  }
0x95: {  	s2 =	sld [smem:$0x3FFD];
	_ =	sdelay $0x3  }
0x96: {  	_ =	strace s2  }
0x97: {  	_ =	strace $0x8FFFFFFF  }
0x98: {  	s18 =	sld [smem:$0x3FDB];
	_ =	sdelay $0x1  }
0x99: {  	s19 =	simm.s32 $_scs_section_size  }
0x9a: {  	s4 =	simm.s32 $_size__tile_overlayer_lowered;
	s5 =	simm.s32 $_tile_overlayer_lowered  }
0x9b: {  	s22 =	simm.s32 $0x1BFF;
	s21 =	sshll.u32 s5, $0x1;
	s2 =	sadd.s32 s19, s18  }
0x9c: {  	s6 =	simm.s32 $0x0;
	s20 =	sshll.u32 s4, $0x1;
	s4 =	sadd.s32 s21, s2  }
0x9d: {  	[timem:s6], [sflag:s22] =	dma.local [hbm:s4], s20  }
0x9e: {  	_ =	swait.ge [sflag:s22], s20  }
0x9f: {  	s3 =	ssub.s32 $0x0, s20;
	[sflag:s22] =	ssyncset.done $0x0  }
0xa0: {  	[sflag:s22] =	ssyncadd.s32 s3;
	_ =	sdelay $0x1  }
0xa1: {  	s23 =	simm.s32 $0x1B8B  }
0xa2: {  	_ =	swait.ge [sflag:s23], $0x1  }
0xa3: {  	[sflag:s23] =	ssyncset.done $0x0  }
0xa4: {  	s25 =	simm.s32 $0x1B8E;
	s24 =	sld [smem:$0x3FFE];
	[sflag:s23] =	ssyncadd.s32 $0xFFFFFFFF  }
0xa5: {  	s26 =	simm.s32 $execute0_lowered;
	[smem:$0x3FD2] =	sst s25  }
0xa6: {  	s4 =	sshll.u32 s26, $0x1;
	_ =	strace $0x80000046;
	[dreg:$0x1] =	wrdreg $0xFFFFFFFF  }
0xa7: {  	s28 =	simm.s32 $_size_execute0_lowered;
	s2 =	sadd.s32 s2, s4;
	[dreg:$0x0] =	wrdreg $0x0  }
0xa8: {  	s4 =	sshll.u32 s28, $0x1;
	[dreg:$0x2] =	wrdreg s2  }
0xa9: {  	[dreg:$0x3] =	wrdreg s4  }
0xaa: {  	[dreg:$0x4] =	wrdreg $0xC0  }
0xab: {  	_ =	task [dreg:s6], $0x5FFFF  }
0xac: {  	[dreg:$0x1] =	wrdreg $0xFFFFFFFF  }
0xad: {  	[dreg:$0x0] =	wrdreg $0x60  }
0xae: {  	[dreg:$0x2] =	wrdreg s24  }
0xaf: {  	[dreg:$0x3] =	wrdreg $0x53000  }
0xb0: {  	[dreg:$0x4] =	wrdreg $0x55800  }
0xb1: {  	[dreg:$0x5] =	wrdreg $0x9  }
0xb2: {  	_ =	task.clear_ibuf [dreg:s6], $0x6FFFF;
	_ =	strace $0x90000046  }
0xb3: {  	s29 =	simm.s32 $0x9;
	_ =	strace $0x80000048  }
0xb4: {  	_ =	swait.ge [sflag:s29], $0x1  }
0xb5: {  	[sflag:s29] =	ssyncadd.s32 $0xFFFFFFFF  }
0xb6: {  	_ =	strace $0x90000048  }
0xb7: {  	_ =	sfence  }
0xb8: {  	s30 =	sld [smem:$0x0];
	_ =	sdelay $0x2  }
0xb9: {  	s31 =	sshll.u32 s1, $0xD;
	s1 =	sshrl.u32 s1, $0x2  }
0xba: {  	s3 =	sand.u32 $0x4000, s31;
	s1 =	sadd.s32 s1, s30  }
0xbb: {  	s0 =	sor.u32 s3, s0;
	s1 =	sshll.u32 s1, $0x11  }
0xbc: {  	s0 =	sor.u32 s1, s0  }
0xbd: {  	s0 =	sadd.s32 $0x8F2B, s0  }
0xbe: {  	[sflag:s0] =	ssyncadd.remote.s32 $0x1  }
0xbf: {  	_ =	sfence.sel $0xFFFF  }
0xc0: {  	[dreg:$0x0] =	wrdreg $0xFFFFFFFF;
	(pc) =	sbr.abs _section_cstart, $3  }
0xc1: {  	[dreg:$0x1] =	wrdreg $0xFFFFFFFF  }
0xc2: {  	_ =	task.clear_ibuf [dreg:s6], $0x2FFFF;
	_ =	strace $0x9FFFFFFF  }
0xc3: {  	(tm) =	ssettm $0x7FFFFFFF  }
tec
execute0_lowered:
.L_overlay_start_1:
0x0: {  	(tag) =	ssettag $0x1  }
0x1: {  	s5 =	rddreg [dreg:$0x0]  }
0x2: {  	s2 =	rddreg [dreg:$0x1]  }
0x3: {  	s3 =	rddreg [dreg:$0x2];
	s4 =	srdreg.scid  }
0x4: {  	s0 =	rddreg [dreg:$0x3];
	s1 =	stileid.u32;
	s13 =	simm.s32 $0x3  }
0x5: {  	s14 =	simm.s32 $0x2880;
	s15 =	simm.s32 $0x5080;
	s16 =	simm.s32 $0x7D  }
0x6: {  	s17 =	simm.s32 $0x1;
	s18 =	simm.s32 $0x2;
	s19 =	simm.s32 $0x400  }
0x7: {  	s20 =	simm.s32 $0x0;
	s6 =	sand.u32 $0x1, s4;
	s31 =	smul.u32 $0x280, s1  }
0x8: {  	s9 =	sshrl.u32 s1, $0x3;
	s4 =	simm.s32 $0x0;
	s8 =	smul.u32 $0x2800, s6  }
0x9: {  	s10 =	sshll.u32 s1, $0x7;
	s7 =	sshll.u32 s6, $0x4;
	s9 =	smul.u32 $0x1400, s9  }
0xa: {  	[smem:$0x7FF] =	sst s4;
	s29 =	sand.u32 $0x380, s10;
	s7 =	sor.u32 s1, s7  }
0xb: {  	s6 =	ssub.s32 $0x2, s6;
	s7 =	smul.u32 $0x500, s7;
	s8 =	sadd.s32 s8, s9  }
0xc: {  	_ =	strace $0x80000047;
	s30 =	sshrl.u32 s6, $0x1;
	s8 =	sor.u32 s29, s8  }
0xd: {  	s12 =	ssub.s32 s6, s30;
	s7 =	sadd.s32 s7, s5;
	s8 =	sshrl.u32 s8, $0x3  }
0xe: {  	s11 =	sadd.s32 s8, s5;
	s5 =	sadd.s32 $0x2400, s7;
	s6 =	sadd.s32 $0xC400, s7  }
0xf: {  	s7 =	sadd.s32 s31, s2;
	s8 =	sadd.s32 s31, s3;
	s9 =	sadd.s32 $0x16400, s11  }
0x10: {  	v0 =	vimm.f32 $0.0e+00;
	v1 =	vimm.f32 $1.000000000e+00;
	s10 =	sadd.s32 $0x16E00, s11;
	s11 =	smax.u32 s12, $0x1;
	s12 =	simm.s32 $0x80  }
.LBB2_1:
0x11: {  	[tilespmem:s12], [sflag:$0x3] =	stream.linear.gather [hbm4b:s5+s4], $0x2800, $0x38;
	[tilespmem:$0x5800] =	vst v63  }
0x12: {  	_ =	swait.ge [sflag:s13], $0x2800  }
0x13: {  	[sflag:s13] =	ssyncset.done $0x0  }
0x14: {  	[sflag:s13] =	ssyncadd.s32 $0xFFFFD800  }
0x15: {  	[tilespmem:s14], [sflag:$0x3] =	stream.linear.gather [hbm4b:s6+s4], $0x2800, $0x38;
	[tilespmem:$0x5800] =	vst v63  }
0x16: {  	_ =	swait.ge [sflag:s13], $0x2800  }
0x17: {  	[sflag:s13] =	ssyncset.done $0x0  }
0x18: {  	[sflag:s13] =	ssyncadd.s32 $0xFFFFD800  }
0x19: {  	[tilespmem:$0x5080] =	vst v0  }
0x1a: {  	[tilespmem:$0x5090] =	vst v0  }
0x1b: {  	[tilespmem:$0x50A0] =	vst v0  }
0x1c: {  	[tilespmem:$0x50B0] =	vst v0  }
0x1d: {  	[tilespmem:$0x50C0] =	vst v0  }
0x1e: {  	[tilespmem:$0x50D0] =	vst v0  }
0x1f: {  	[tilespmem:$0x50E0] =	vst v0  }
0x20: {  	[tilespmem:$0x50F0] =	vst v0  }
0x21: {  	[tilespmem:$0x5100] =	vst v0  }
0x22: {  	[tilespmem:$0x5110] =	vst v0  }
0x23: {  	[tilespmem:$0x5120] =	vst v0  }
0x24: {  	[tilespmem:$0x5130] =	vst v0  }
0x25: {  	[tilespmem:$0x5140] =	vst v0  }
0x26: {  	[tilespmem:$0x5150] =	vst v0  }
0x27: {  	[tilespmem:$0x5160] =	vst v0  }
0x28: {  	[tilespmem:$0x5170] =	vst v0  }
0x29: {  	[tilespmem:$0x5180] =	vst v0  }
0x2a: {  	[tilespmem:$0x5190] =	vst v0  }
0x2b: {  	[tilespmem:$0x51A0] =	vst v0  }
0x2c: {  	[tilespmem:$0x51B0] =	vst v0  }
0x2d: {  	[tilespmem:$0x51C0] =	vst v0  }
0x2e: {  	[tilespmem:$0x51D0] =	vst v0  }
0x2f: {  	[tilespmem:$0x51E0] =	vst v0  }
0x30: {  	[tilespmem:$0x51F0] =	vst v0  }
0x31: {  	[tilespmem:$0x5200] =	vst v0  }
0x32: {  	[tilespmem:$0x5210] =	vst v0  }
0x33: {  	[tilespmem:$0x5220] =	vst v0  }
0x34: {  	[tilespmem:$0x5230] =	vst v0  }
0x35: {  	[tilespmem:$0x5240] =	vst v0  }
0x36: {  	[tilespmem:$0x5250] =	vst v0  }
0x37: {  	[tilespmem:$0x5260] =	vst v0  }
0x38: {  	[tilespmem:$0x5270] =	vst v0  }
0x39: {  	[tilespmem:$0x5280] =	vst v0  }
0x3a: {  	[tilespmem:$0x5290] =	vst v0  }
0x3b: {  	[tilespmem:$0x52A0] =	vst v0  }
0x3c: {  	[tilespmem:$0x52B0] =	vst v0  }
0x3d: {  	[tilespmem:$0x52C0] =	vst v0  }
0x3e: {  	[tilespmem:$0x52D0] =	vst v0  }
0x3f: {  	[tilespmem:$0x52E0] =	vst v0  }
0x40: {  	[tilespmem:$0x52F0] =	vst v0  }
0x41: {  	[spmem:s7] =	stream.linear.scatter [tilespmem:s15], [sflag:$0x3], $0x280, $0x38;
	[tilespmem:$0x5800] =	vst v63  }
0x42: {  	_ =	swait.ge [sflag:s13], $0x280  }
0x43: {  	[sflag:s13] =	ssyncset.done $0x0  }
0x44: {  	[sflag:s13] =	ssyncadd.s32 $0xFFFFFD80  }
0x45: {  	[spmem:s8] =	stream.linear.scatter [tilespmem:s15], [sflag:$0x3], $0x280, $0x38;
	[tilespmem:$0x5800] =	vst v63  }
0x46: {  	_ =	swait.ge [sflag:s13], $0x280  }
0x47: {  	[sflag:s13] =	ssyncset.done $0x0  }
0x48: {  	[sflag:s13] =	ssyncadd.s32 $0xFFFFFD80  }
0x49: {  	[tilespmem:$0x0] =	vst v1  }
0x4a: {  	[tilespmem:$0x10] =	vst v1  }
0x4b: {  	[tilespmem:$0x20] =	vst v1  }
0x4c: {  	[tilespmem:$0x30] =	vst v1  }
0x4d: {  	[tilespmem:$0x40] =	vst v1  }
0x4e: {  	[tilespmem:$0x50] =	vst v1  }
0x4f: {  	[tilespmem:$0x60] =	vst v1  }
0x50: {  	[tilespmem:$0x70] =	vst v1  }
0x51: {  	s21 =	simm.s32 $0x80;
	[bflag:$0x0] =	sbarrier.arrive $0xFFFF  }
0x52: {  	[spmem:s2] =	stream.indirect.scatter.add.f32 [tilespmem:s4], [sflag:$0x1], $0x1, s21, s16, $0xb8;
	[tilespmem:$0x5800] =	vst v63  }
0x53: {  	s22 =	simm.s32 $0x2880;
	s21 =	simm.s32 $0x200  }
.LBB2_2:
0x54: {  	[spmem:s3] =	stream.indirect.scatter.add.f32 [tilespmem:s4], [sflag:$0x2], $0x1, s22, s16, $0xb8;
	[tilespmem:$0x5800] =	vst v63  }
0x55: {  	s22 =	smov.u32 s21;
	p0 =	sne.s32 s21, $0x9E00  }
.Ltmp0:
0x56: {  	s21 =	sadd.s32 $0x200, s21;
	(pc) =	sbr.rel @p0 .LBB2_2-.Ltmp0, $4  }
0x57: {  	s22 =	sshra.s32 s22, $0x2  }
0x58: {  	s23 =	sadd.s32 $0x80, s22  }
0x59: {  	[spmem:s2] =	stream.indirect.scatter.add.f32 [tilespmem:s4], [sflag:$0x1], $0x1, s23, s16, $0xb8;
	[tilespmem:$0x5800] =	vst v63  }
0x5a: {  	s22 =	sadd.s32 $0x2880, s22  }
0x5b: {  	[spmem:s3] =	stream.indirect.scatter.add.f32 [tilespmem:s4], [sflag:$0x2], $0x1, s22, s16, $0xb8;
	[tilespmem:$0x5800] =	vst v63  }
0x5c: {  	_ =	swait.ge [sflag:s17], $0x7D  }
0x5d: {  	[sflag:s17] =	ssyncset.done $0x0  }
0x5e: {  	[sflag:s17] =	ssyncadd.s32 $0xFFFFFF83  }
0x5f: {  	_ =	swait.ge [sflag:s18], $0x7D  }
0x60: {  	s21 =	simm.s32 $0x4F;
	[sflag:s18] =	ssyncset.done $0x0  }
.LBB2_4:
0x61: {  	p0 =	sne.s32 s21, $0x1;
	s21 =	sadd.s32 $0xFFFFFFFF, s21;
	[sflag:s18] =	ssyncadd.s32 $0xFFFFFF83  }
.Ltmp1:
0x62: {  	_ =	swait.ge [sflag:s17], $0x7D;
	(pc) =	sbr.rel @p0 .LBB2_4-.Ltmp1, $4  }
0x63: {  	[sflag:s17] =	ssyncset.done $0x0  }
0x64: {  	[sflag:s17] =	ssyncadd.s32 $0xFFFFFF83  }
0x65: {  	_ =	swait.ge [sflag:s18], $0x7D  }
0x66: {  	[sflag:s18] =	ssyncset.done $0x0  }
0x67: {  	[sflag:s18] =	ssyncadd.s32 $0xFFFFFF83  }
0x68: {  	[bflag:$0x0] =	sbarrier.arrive $0xFFFF  }
0x69: {  	[tilespmem:s15], [sflag:$0x3] =	stream.linear.gather [spmem:s7], $0x280, $0x38;
	[tilespmem:$0x5800] =	vst v63  }
0x6a: {  	_ =	swait.ge [sflag:s13], $0x280  }
0x6b: {  	[sflag:s13] =	ssyncset.done $0x0  }
0x6c: {  	[sflag:s13] =	ssyncadd.s32 $0xFFFFFD80  }
0x6d: {  	[hbm4b:s9+s12] =	stream.strided.scatter [tilespmem:s15], [sflag:$0x3], $0x280, s19, s12, $0x38;
	[tilespmem:$0x5800] =	vst v63  }
0x6e: {  	_ =	swait.ge [sflag:s13], $0x280  }
0x6f: {  	[sflag:s13] =	ssyncset.done $0x0  }
0x70: {  	[sflag:s13] =	ssyncadd.s32 $0xFFFFFD80  }
0x71: {  	[tilespmem:s15], [sflag:$0x3] =	stream.linear.gather [spmem:s8], $0x280, $0x38;
	[tilespmem:$0x5800] =	vst v63  }
0x72: {  	s20 =	sadd.s32 $0x1, s20;
	_ =	swait.ge [sflag:s13], $0x280  }
0x73: {  	p0 =	sne.s32 s20, s11;
	[sflag:s13] =	ssyncset.done $0x0  }
.Ltmp2:
0x74: {  	[sflag:s13] =	ssyncadd.s32 $0xFFFFFD80;
	(pc) =	sbr.rel @p0 .LBB2_1-.Ltmp2, $4  }
0x75: {  	[hbm4b:s10+s12] =	stream.strided.scatter [tilespmem:s15], [sflag:$0x3], $0x280, s19, s12, $0x38;
	[tilespmem:$0x5800] =	vst v63  }
0x76: {  	_ =	swait.ge [sflag:s13], $0x280  }
0x77: {  	[sflag:s13] =	ssyncset.done $0x0  }
0x78: {  	[sflag:s13] =	ssyncadd.s32 $0xFFFFFD80  }
0x79: {  	_ =	sfence.sel $0x180000  }
0x7a: {  	[bflag:$0x0] =	sbarrier.arrive $0xFFFF  }
0x7b: {  	p0 =	sne.s32 s1, $0x0;
	_ =	strace $0x90000047  }
0x7c: {  	s0 =	sadd.s32 @!p0 $0x100000, s0;
	[bflag:$0x2] =	sbarrier.arrive $0xFFFF  }
0x7d: {  	[sflag:s0] =	ssyncadd.tile.s32 @!p0 $0x1;
	_ =	shalt  }
.Lfunc_end2:
_tile_overlayer_lowered:
.L_overlay_start_2:
0x7e: {  	(tag) =	ssettag $0x2  }
0x7f: {  	s0 =	rddreg [dreg:$0x0];
	s2 =	stileid.u32  }
0x80: {  	s1 =	rddreg [dreg:$0x1];
	p0 =	sne.s32 s2, $0x0  }
0x81: {  	s3 =	rddreg [dreg:$0x2];
	[bflag:$0x3] =	sbarrier.arrive $0xFFFF;
	s2 =	simm.s32 @!p0 $0x1C03  }
0x82: {  	[timem:s3], [sflag:s2] =	dma.local @!p0 [hbm:s0], s1  }
0x83: {  	s0 =	simm.s32 @!p0 $0x3  }
0x84: {  	_ =	swait.ge @!p0 [sflag:s0], s1  }
0x85: {  	s1 =	ssub.s32 @!p0 $0x0, s1;
	[sflag:s0] =	ssyncset.done @!p0 $0x0  }
0x86: {  	[sflag:s0] =	ssyncadd.s32 @!p0 s1  }
0x87: {  	[bflag:$0x3] =	sbarrier.arrive $0xFFFF  }
0x88: {  	_ =	shalt  }

// kernel: kernel.9.cloned.1.call-start
scs
__scs_entry_jumppad:
0x0: {  	(pc) =	sbr.rel $0x88, $3  }
0x1: {  	(tag) =	ssettag $0x0;
	lr =	simm.s32 $0x1  }
0x2: {  	[smem:$0x3F97] =	sst lr;
	_ =	strace $0xD0000000  }
0x3: {  	_ = 	snop  }
0x4: {  	_ = 	snop  }
0x5: {  	_ = 	snop  }
0x6: {  	_ = 	snop  }
0x7: {  	_ = 	snop  }
__scs_overlays_trampoline_lowered:
0x8: {  	[smem:$0x3FA6] =	sst s0  }
0x9: {  	[smem:$0x3FA7] =	sst s1  }
0xa: {  	[smem:$0x3FA8] =	sst s2  }
0xb: {  	[smem:$0x3FA9] =	sst s3  }
0xc: {  	[smem:$0x3FAA] =	sst s4  }
0xd: {  	[smem:$0x3FAB] =	sst s5  }
0xe: {  	[smem:$0x3FAC] =	sst s6  }
0xf: {  	[smem:$0x3FAD] =	sst s7  }
0x10: {  	[smem:$0x3FAE] =	sst s8  }
0x11: {  	[smem:$0x3FAF] =	sst s9;
	s0 =	simm.s32 @!p0 $0x0  }
0x12: {  	s1 =	sld [smem:$0x3F95];
	s0 =	simm.s32 @p0 $0x1  }
0x13: {  	[smem:$0x3FB0] =	sst s0;
	s0 =	simm.s32 @!p1 $0x0  }
0x14: {  	s2 =	sld [smem:$0x3F94];
	s0 =	simm.s32 @p1 $0x1  }
0x15: {  	[smem:$0x3FB1] =	sst s0;
	s0 =	simm.s32 @!p2 $0x0  }
0x16: {  	s3 =	sld [smem:$0x3FDB];
	s0 =	simm.s32 @p2 $0x1  }
0x17: {  	s4 =	simm.s32 $0x1BF5;
	[smem:$0x3FB3] =	sst s0  }
0x18: {  	s0 =	sld [smem:$0x3F96];
	_ =	swait.ge [sflag:s4], $0x0  }
0x19: {  	s7 =	sld [smem:$0x3F97]  }
0x1a: {  	s8 =	sadd.s32 $0xFFFFE003, lr  }
0x1b: {  	s9 =	sadd.s32 $0xFFFFFEF7, lr;
	s5 =	simm.s32 $0xFFFFFFFF;
	p2 =	slt.u32 s8, $0xFFFFF086  }
0x1c: {  	p1 =	slt.u32 s9, $0xF7A;
	s5 =	simm.s32 @!p2 $0x0  }
0x1d: {  	s5 =	simm.s32 @p1 $0x1;
	p0 =	seq.s32 s7, s2  }
0x1e: {  	s7 =	smul.u32 @!p0 $0xF7A, s2;
	p2 =	seq.s32 @!p0 s5, $0x0  }
0x1f: {  	s9 =	smul.u32 $0xF7A, s1;
	s8 =	simm.s32 @!p0 $0x1BF5;
	p2 =	por !p2, p0  }
0x20: {  	[sflag:s8] =	ssyncset.s32 @!p0 $0xFFFFF086;
	s6 =	sadd.s32 @!p0 s3, s7;
	s7 =	simm.s32 @!p0 $0x108  }
0x21: {  	s3 =	sadd.s32 s3, s9;
	s6 =	sadd.s32 @!p0 $0x88, s6;
	s7 =	simm.s32 @p2 $0x1082  }
0x22: {  	[simem:s7], [sflag:s8] =	dma.local @!p0 [hbm:s6], $0xF7A  }
0x23: {  	s9 =	sor.u32 $0xD0000000, s2;
	s6 =	simm.s32 $0x108;
	_ =	swait.ge @!p0 [sflag:s8], $0x0  }
0x24: {  	s3 =	sadd.s32 $0x88, s3;
	s6 =	simm.s32 @!p1 $0x1082;
	[sflag:s4] =	ssyncset.s32 $0xFFFFF086  }
0x25: {  	[simem:s6], [sflag:s4] =	dma.local [hbm:s3], $0xF7A  }
0x26: {  	[smem:$0x3F97] =	sst s1;
	(tag) =	ssettag s2;
	_ =	strace s9  }
0x27: {  	s1 =	sld [smem:$0x3FA7]  }
0x28: {  	s2 =	sld [smem:$0x3FA8]  }
0x29: {  	s4 =	sld [smem:$0x3FAA]  }
0x2a: {  	p0 =	seq.s32 s5, $0x0;
	s5 =	sld [smem:$0x3FAB]  }
0x2b: {  	s6 =	sld [smem:$0x3FAC]  }
0x2c: {  	s7 =	sld [smem:$0x3FAD]  }
0x2d: {  	s3 =	simm.s32 $0x108;
	s8 =	sld [smem:$0x3FAE]  }
0x2e: {  	s3 =	simm.s32 @!p0 $0x1082;
	s9 =	sld [smem:$0x3FAF]  }
0x2f: {  	lr =	sadd.s32 s0, s3;
	s0 =	sld [smem:$0x3FA6]  }
0x30: {  	s3 =	sld [smem:$0x3FA9]  }
0x31: {  	[smem:$0x3FB2] =	sst s10  }
0x32: {  	s10 =	sld [smem:$0x3FB0];
	_ =	sdelay $0x3  }
0x33: {  	p0 =	seq.s32 s10, $0x1;
	s10 =	sld [smem:$0x3FB2];
	_ =	sdelay $0x3  }
0x34: {  	[smem:$0x3FB2] =	sst s10  }
0x35: {  	s10 =	sld [smem:$0x3FB1];
	_ =	sdelay $0x3  }
0x36: {  	p1 =	seq.s32 s10, $0x1;
	s10 =	sld [smem:$0x3FB2];
	_ =	sdelay $0x3  }
0x37: {  	[smem:$0x3FB2] =	sst s10  }
0x38: {  	s10 =	sld [smem:$0x3FB3]  }
0x39: {  	_ = 	snop;
	(pc) =	sbr.ind lr, $3  }
0x3a: {  	_ = 	snop  }
0x3b: {  	_ = 	snop  }
0x3c: {  	p2 =	seq.s32 s10, $0x1;
	s10 =	sld [smem:$0x3FB2]  }
0x3d: {  	_ =	shalt  }
0x3e: {  	_ =	shalt  }
0x3f: {  	_ =	shalt  }
0x40: {  	_ =	shalt  }
0x41: {  	_ =	shalt  }
0x42: {  	_ =	shalt  }
0x43: {  	_ =	shalt  }
0x44: {  	_ =	shalt  }
0x45: {  	_ =	shalt  }
0x46: {  	_ =	shalt  }
0x47: {  	_ =	shalt  }
0x48: {  	_ =	shalt  }
0x49: {  	_ =	shalt  }
0x4a: {  	_ =	shalt  }
0x4b: {  	_ =	shalt  }
0x4c: {  	_ =	shalt  }
0x4d: {  	_ =	shalt  }
0x4e: {  	_ =	shalt  }
0x4f: {  	_ =	shalt  }
0x50: {  	_ =	shalt  }
0x51: {  	_ =	shalt  }
0x52: {  	_ =	shalt  }
0x53: {  	_ =	shalt  }
0x54: {  	_ =	shalt  }
0x55: {  	_ =	shalt  }
0x56: {  	_ =	shalt  }
0x57: {  	_ =	shalt  }
0x58: {  	_ =	shalt  }
0x59: {  	_ =	shalt  }
0x5a: {  	_ =	shalt  }
0x5b: {  	_ =	shalt  }
0x5c: {  	_ =	shalt  }
0x5d: {  	_ =	shalt  }
0x5e: {  	_ =	shalt  }
0x5f: {  	_ =	shalt  }
0x60: {  	_ =	shalt  }
0x61: {  	_ =	shalt  }
0x62: {  	_ =	shalt  }
0x63: {  	_ =	shalt  }
0x64: {  	_ =	shalt  }
0x65: {  	_ =	shalt  }
0x66: {  	_ =	shalt  }
0x67: {  	_ =	shalt  }
0x68: {  	_ =	shalt  }
0x69: {  	_ =	shalt  }
0x6a: {  	_ =	shalt  }
0x6b: {  	_ =	shalt  }
0x6c: {  	_ =	shalt  }
0x6d: {  	_ =	shalt  }
0x6e: {  	_ =	shalt  }
0x6f: {  	_ =	shalt  }
0x70: {  	_ =	shalt  }
0x71: {  	_ =	shalt  }
0x72: {  	_ =	shalt  }
0x73: {  	_ =	shalt  }
0x74: {  	_ =	shalt  }
0x75: {  	_ =	shalt  }
0x76: {  	_ =	shalt  }
0x77: {  	_ =	shalt  }
0x78: {  	_ =	shalt  }
0x79: {  	_ =	shalt  }
0x7a: {  	_ =	shalt  }
0x7b: {  	_ =	shalt  }
0x7c: {  	_ =	shalt  }
0x7d: {  	_ =	shalt  }
0x7e: {  	_ =	shalt  }
0x7f: {  	_ =	shalt  }
0x80: {  	_ =	shalt  }
0x81: {  	_ =	shalt  }
0x82: {  	_ =	shalt  }
0x83: {  	_ =	shalt  }
0x84: {  	_ =	shalt  }
0x85: {  	_ =	shalt  }
0x86: {  	_ =	shalt  }
0x87: {  	_ =	shalt  }
.Lfunc_end0:
.L_simem_size_0:
called_computation.1_lowered:
.L_overlay_start_0:
0x88: {  	s2 =	sld [smem:$0x3FD9]  }
0x89: {  	s3 =	sld [smem:$0x3FFE];
	_ =	sdelay $0x1  }
0x8a: {  	s1 =	srdreg.scid  }
0x8b: {  	s0 =	sand.u32 $0x1, s1  }
0x8c: {  	s16 =	sshll.u32 s0, $0xA;
	s2 =	sadd.s32 s3, s2  }
0x8d: {  	s2 =	sadd.s32 s2, s16  }
0x8e: {  	[smem:$0x3FBE] =	sst s2  }
0x8f: {  	_ = 	snop  }
0x90: {  	(tm) =	ssettm $0x1  }
0x91: {  	s17 =	sld [smem:$0x3FFB];
	_ =	sdelay $0x3  }
0x92: {  	_ =	strace s17  }
0x93: {  	s2 =	sld [smem:$0x3FFC];
	_ =	sdelay $0x3  }
0x94: {  	_ =	strace s2  }
0x95: {  	s2 =	sld [smem:$0x3FFD];
	_ =	sdelay $0x3  }
0x96: {  	_ =	strace s2  }
0x97: {  	_ =	strace $0x8FFFFFFF  }
0x98: {  	s18 =	sld [smem:$0x3FDB];
	_ =	sdelay $0x1  }
0x99: {  	s19 =	simm.s32 $_scs_section_size  }
0x9a: {  	s4 =	simm.s32 $_size__tile_overlayer_lowered;
	s5 =	simm.s32 $_tile_overlayer_lowered  }
0x9b: {  	s22 =	simm.s32 $0x1BFF;
	s21 =	sshll.u32 s5, $0x1;
	s2 =	sadd.s32 s19, s18  }
0x9c: {  	s6 =	simm.s32 $0x0;
	s20 =	sshll.u32 s4, $0x1;
	s4 =	sadd.s32 s21, s2  }
0x9d: {  	[timem:s6], [sflag:s22] =	dma.local [hbm:s4], s20  }
0x9e: {  	_ =	swait.ge [sflag:s22], s20  }
0x9f: {  	s3 =	ssub.s32 $0x0, s20;
	[sflag:s22] =	ssyncset.done $0x0  }
0xa0: {  	[sflag:s22] =	ssyncadd.s32 s3;
	_ =	sdelay $0x1  }
0xa1: {  	s23 =	simm.s32 $0x1B8B  }
0xa2: {  	_ =	swait.ge [sflag:s23], $0x1  }
0xa3: {  	[sflag:s23] =	ssyncset.done $0x0  }
0xa4: {  	s25 =	simm.s32 $0x1B8E;
	s24 =	sld [smem:$0x3FFE];
	[sflag:s23] =	ssyncadd.s32 $0xFFFFFFFF  }
0xa5: {  	s26 =	simm.s32 $execute0_lowered;
	[smem:$0x3FD2] =	sst s25  }
0xa6: {  	s4 =	sshll.u32 s26, $0x1;
	_ =	strace $0x80000049;
	[dreg:$0x1] =	wrdreg $0xFFFFFFFF  }
0xa7: {  	s28 =	simm.s32 $_size_execute0_lowered;
	s2 =	sadd.s32 s2, s4;
	[dreg:$0x0] =	wrdreg $0x0  }
0xa8: {  	s4 =	sshll.u32 s28, $0x1;
	[dreg:$0x2] =	wrdreg s2  }
0xa9: {  	[dreg:$0x3] =	wrdreg s4  }
0xaa: {  	[dreg:$0x4] =	wrdreg $0xC0  }
0xab: {  	_ =	task [dreg:s6], $0x5FFFF  }
0xac: {  	[dreg:$0x1] =	wrdreg $0xFFFFFFFF  }
0xad: {  	[dreg:$0x0] =	wrdreg $0x60  }
0xae: {  	[dreg:$0x2] =	wrdreg s24  }
0xaf: {  	[dreg:$0x3] =	wrdreg $0xA9000  }
0xb0: {  	[dreg:$0x4] =	wrdreg $0x9  }
0xb1: {  	_ =	task.clear_ibuf [dreg:s6], $0x5FFFF;
	_ =	strace $0x90000049  }
0xb2: {  	s29 =	simm.s32 $0x9;
	_ =	strace $0x8000004B  }
0xb3: {  	_ =	swait.ge [sflag:s29], $0x1  }
0xb4: {  	[sflag:s29] =	ssyncadd.s32 $0xFFFFFFFF  }
0xb5: {  	_ =	strace $0x9000004B  }
0xb6: {  	_ =	sfence  }
0xb7: {  	s30 =	sld [smem:$0x0];
	_ =	sdelay $0x2  }
0xb8: {  	s31 =	sshll.u32 s1, $0xD;
	s1 =	sshrl.u32 s1, $0x2  }
0xb9: {  	s3 =	sand.u32 $0x4000, s31;
	s1 =	sadd.s32 s1, s30  }
0xba: {  	s0 =	sor.u32 s3, s0;
	s1 =	sshll.u32 s1, $0x11  }
0xbb: {  	s0 =	sor.u32 s1, s0  }
0xbc: {  	s0 =	sadd.s32 $0x8F2B, s0  }
0xbd: {  	[sflag:s0] =	ssyncadd.remote.s32 $0x1  }
0xbe: {  	_ =	sfence.sel $0xFFFF  }
0xbf: {  	[dreg:$0x0] =	wrdreg $0xFFFFFFFF;
	(pc) =	sbr.abs _section_cstart, $3  }
0xc0: {  	[dreg:$0x1] =	wrdreg $0xFFFFFFFF  }
0xc1: {  	_ =	task.clear_ibuf [dreg:s6], $0x2FFFF;
	_ =	strace $0x9FFFFFFF  }
0xc2: {  	(tm) =	ssettm $0x7FFFFFFF  }
0xc3: {  	_ =	shalt  }
tec
execute0_lowered:
.L_overlay_start_1:
0x0: {  	(tag) =	ssettag $0x1  }
0x1: {  	s0 =	rddreg [dreg:$0x0]  }
0x2: {  	s1 =	rddreg [dreg:$0x1];
	s2 =	srdreg.scid;
	s3 =	simm.s32 $0x0  }
0x3: {  	s12 =	stileid.u32;
	s29 =	simm.s32 $0x5;
	s30 =	simm.s32 $0x2900  }
0x4: {  	s31 =	simm.s32 $0x80;
	s28 =	simm.s32 $0x4;
	s2 =	sand.u32 $0x1, s2  }
0x5: {  	[smem:$0x7FF] =	sst s3;
	s7 =	smul.u32 $0x14000, s12;
	s4 =	sadd.s32 $0x17800, s0  }
0x6: {  	s9 =	sadd.s32 $0x3EA00, s0;
	s6 =	smul.u32 $0x140000, s2;
	s5 =	sshll.u32 s2, $0x4  }
0x7: {  	_ =	strace $0x8000004A;
	s2 =	ssub.s32 $0x2, s2;
	s5 =	sor.u32 s12, s5  }
0x8: {  	s10 =	sshrl.u32 s2, $0x1;
	s21 =	sadd.s32 $0x7800, s7;
	s22 =	sadd.s32 $0xA000, s7  }
0x9: {  	s23 =	sadd.s32 $0xC800, s7;
	s24 =	sadd.s32 $0xF000, s7;
	s5 =	smul.u32 $0x2800, s5  }
0xa: {  	s8 =	sadd.s32 s6, s7;
	s2 =	ssub.s32 s2, s10;
	s10 =	sor.u32 $0x2800, s7  }
0xb: {  	s14 =	sadd.s32 s6, s21;
	s15 =	sadd.s32 s6, s22;
	s17 =	sadd.s32 s6, s23  }
0xc: {  	s18 =	sadd.s32 s6, s24;
	s21 =	sadd.s32 s21, s1;
	s22 =	sadd.s32 s22, s1  }
0xd: {  	s23 =	sadd.s32 s23, s1;
	s24 =	sadd.s32 s24, s1;
	s8 =	sshrl.u32 s8, $0x3  }
0xe: {  	s13 =	sadd.s32 s6, s10;
	s14 =	sshrl.u32 s14, $0x3;
	s15 =	sshrl.u32 s15, $0x3  }
0xf: {  	s19 =	sshrl.u32 s18, $0x3;
	s11 =	sshrl.u32 s5, $0x3;
	s8 =	sadd.s32 s9, s8  }
0x10: {  	s13 =	sshrl.u32 s13, $0x3;
	s16 =	sadd.s32 s9, s15;
	[dreg:$0x3] =	wrdreg s8  }
0x11: {  	s8 =	smul.u32 $0x50000, s12;
	s12 =	sadd.s32 $0x5000, s7;
	s7 =	sadd.s32 $0x11800, s7  }
0x12: {  	s13 =	sadd.s32 s9, s13;
	[dreg:$0x7] =	wrdreg s16;
	s20 =	sadd.s32 s11, s0  }
0x13: {  	[dreg:$0x4] =	wrdreg s13;
	s26 =	sadd.s32 s6, s12;
	s6 =	sadd.s32 s6, s7  }
0x14: {  	s25 =	sadd.s32 $0xC400, s20;
	s20 =	sadd.s32 s12, s1;
	s13 =	sshrl.u32 s26, $0x3  }
0x15: {  	s6 =	sshrl.u32 s6, $0x3;
	[dreg:$0xb] =	wrdreg s25;
	s26 =	sshrl.u32 s8, $0x2  }
0x16: {  	s25 =	sadd.s32 s7, s1;
	s7 =	simm.s32 $0x1;
	s13 =	sadd.s32 s9, s13  }
0x17: {  	s8 =	simm.s32 $0x2;
	s6 =	sadd.s32 s9, s6;
	[dreg:$0x5] =	wrdreg s13  }
0x18: {  	s18 =	sadd.s32 s26, s1;
	s13 =	sadd.s32 s9, s14;
	[dreg:$0xa] =	wrdreg s6  }
0x19: {  	s14 =	sadd.s32 $0x2400, s0;
	s0 =	simm.s32 $0x3;
	s6 =	simm.s32 $0x6900  }
0x1a: {  	[dreg:$0x6] =	wrdreg s13;
	s13 =	sshrl.u32 s17, $0x3;
	s16 =	sadd.s32 s14, s11  }
0x1b: {  	s17 =	smax.u32 s2, $0x1;
	s2 =	simm.s32 $0x7D;
	s13 =	sadd.s32 s9, s13  }
0x1c: {  	s26 =	sadd.s32 $0x10, s16;
	[dreg:$0x8] =	wrdreg s13;
	s13 =	sadd.s32 s9, s19  }
0x1d: {  	v0 =	vimm.f32 $0.0e+00;
	s19 =	sadd.s32 s10, s1;
	s9 =	simm.s32 $0x0;
	[dreg:$0x9] =	wrdreg s13  }
.LBB2_1:
0x1e: {  	s10 =	rddreg [dreg:$0xb];
	s11 =	simm.s32 $0x100  }
0x1f: {  	[tilespmem:s11], [sflag:$0x5] =	stream.linear.gather [hbm4b:s10+s3], $0x2800, $0x38;
	[tilespmem:$0x1E900] =	vst v63  }
0x20: {  	s13 =	sand.u32 $0xFE00, s3;
	s15 =	sand.u32 $0x70, s3;
	_ =	swait.ge [sflag:s29], $0x2800  }
0x21: {  	s12 =	sshrl.u32 s13, $0x2;
	s10 =	simm.s32 $0x40;
	[sflag:s29] =	ssyncset.done $0x0  }
0x22: {  	s11 =	simm.s32 $0x0;
	s12 =	sor.u32 s15, s12;
	[sflag:s29] =	ssyncadd.s32 $0xFFFFD800  }
.LBB2_2:
0x23: {  	p0 =	sne.s32 s10, $0x9FC0  }
0x24: {  	[tilespmem:s12+$0x2900] =	vst v0;
	s11 =	sadd.s32 $0x10, s11;
	s12 =	smov.u32 s10;
	s10 =	sadd.s32 $0x40, s10  }
.Ltmp0:
0x25: {  	(pc) =	sbr.rel @p0 .LBB2_2-.Ltmp0, $4  }
0x26: {  	_ = 	snop  }
0x27: {  	s12 =	sand.u32 $0xFE00, s12  }
0x28: {  	s13 =	sand.u32 $0x70, s11;
	s12 =	sshrl.u32 s12, $0x2  }
0x29: {  	s12 =	sor.u32 s13, s12  }
0x2a: {  	[tilespmem:s12+$0x2900] =	vst v0  }
0x2b: {  	[spmem:s18] =	stream.linear.scatter [tilespmem:s30], [sflag:$0x5], $0x2800, $0x38;
	[tilespmem:$0x1E900] =	vst v63  }
0x2c: {  	_ =	swait.ge [sflag:s29], $0x2800  }
0x2d: {  	[sflag:s29] =	ssyncset.done $0x0  }
0x2e: {  	[sflag:s29] =	ssyncadd.s32 $0xFFFFD800  }
0x2f: {  	[spmem:s19] =	stream.linear.scatter [tilespmem:s30], [sflag:$0x5], $0x2800, $0x38;
	[tilespmem:$0x1E900] =	vst v63  }
0x30: {  	_ =	swait.ge [sflag:s29], $0x2800  }
0x31: {  	[sflag:s29] =	ssyncset.done $0x0  }
0x32: {  	[sflag:s29] =	ssyncadd.s32 $0xFFFFD800  }
0x33: {  	[spmem:s20] =	stream.linear.scatter [tilespmem:s30], [sflag:$0x5], $0x2800, $0x38;
	[tilespmem:$0x1E900] =	vst v63  }
0x34: {  	_ =	swait.ge [sflag:s29], $0x2800  }
0x35: {  	[sflag:s29] =	ssyncset.done $0x0  }
0x36: {  	[sflag:s29] =	ssyncadd.s32 $0xFFFFD800  }
0x37: {  	[spmem:s21] =	stream.linear.scatter [tilespmem:s30], [sflag:$0x5], $0x2800, $0x38;
	[tilespmem:$0x1E900] =	vst v63  }
0x38: {  	_ =	swait.ge [sflag:s29], $0x2800  }
0x39: {  	[sflag:s29] =	ssyncset.done $0x0  }
0x3a: {  	[sflag:s29] =	ssyncadd.s32 $0xFFFFD800  }
0x3b: {  	[spmem:s22] =	stream.linear.scatter [tilespmem:s30], [sflag:$0x5], $0x2800, $0x38;
	[tilespmem:$0x1E900] =	vst v63  }
0x3c: {  	_ =	swait.ge [sflag:s29], $0x2800  }
0x3d: {  	[sflag:s29] =	ssyncset.done $0x0  }
0x3e: {  	[sflag:s29] =	ssyncadd.s32 $0xFFFFD800  }
0x3f: {  	[spmem:s23] =	stream.linear.scatter [tilespmem:s30], [sflag:$0x5], $0x2800, $0x38;
	[tilespmem:$0x1E900] =	vst v63  }
0x40: {  	_ =	swait.ge [sflag:s29], $0x2800  }
0x41: {  	[sflag:s29] =	ssyncset.done $0x0  }
0x42: {  	[sflag:s29] =	ssyncadd.s32 $0xFFFFD800  }
0x43: {  	[spmem:s24] =	stream.linear.scatter [tilespmem:s30], [sflag:$0x5], $0x2800, $0x38;
	[tilespmem:$0x1E900] =	vst v63  }
0x44: {  	_ =	swait.ge [sflag:s29], $0x2800  }
0x45: {  	[sflag:s29] =	ssyncset.done $0x0  }
0x46: {  	[sflag:s29] =	ssyncadd.s32 $0xFFFFD800  }
0x47: {  	[spmem:s25] =	stream.linear.scatter [tilespmem:s30], [sflag:$0x5], $0x2800, $0x38;
	[tilespmem:$0x1E900] =	vst v63  }
0x48: {  	_ =	swait.ge [sflag:s29], $0x2800  }
0x49: {  	[sflag:s29] =	ssyncset.done $0x0  }
0x4a: {  	[sflag:s29] =	ssyncadd.s32 $0xFFFFD800  }
0x4b: {  	[bflag:$0x0] =	sbarrier.arrive $0xFFFF  }
0x4c: {  	[tilespmem:s3], [sflag:$0x3] =	stream.linear.gather [hbm4b:s16+s3], $0x80, $0x38;
	[tilespmem:$0x1E900] =	vst v63  }
0x4d: {  	_ = 	snop  }
0x4e: {  	[tilespmem:s31], [sflag:$0x4] =	stream.linear.gather [hbm4b:s26+s3], $0x80, $0x38;
	[tilespmem:$0x1E900] =	vst v63  }
0x4f: {  	_ =	swait.ge [sflag:s0], $0x80  }
0x50: {  	[sflag:s0] =	ssyncset.done $0x0  }
0x51: {  	[sflag:s0] =	ssyncadd.s32 $0xFFFFFF80  }
0x52: {  	[tilespmem:s30], [sflag:$0x1] =	stream.indirect.gather [hbm4b:s4+s2], $0x80, s3, s2, $0xb8;
	[tilespmem:$0x1E900] =	vst v63  }
0x53: {  	s10 =	simm.s32 $0x100;
	_ =	swait.ge [sflag:s28], $0x80  }
0x54: {  	s11 =	sand.u32 $0x7C00, s10;
	[sflag:s28] =	ssyncset.done $0x0  }
0x55: {  	s10 =	sand.u32 $0x300, s10;
	s11 =	sadd.s32 s5, s11;
	[sflag:s28] =	ssyncadd.s32 $0xFFFFFF80  }
0x56: {  	[tilespmem:s6], [sflag:$0x2] =	stream.indirect.gather [hbm4b:s4+s2], $0x80, s31, s2, $0xb8;
	[tilespmem:$0x1E900] =	vst v63  }
0x57: {  	s10 =	sor.u32 s10, s11;
	_ =	swait.ge [sflag:s7], $0x3E80  }
0x58: {  	s10 =	sshrl.u32 s10, $0x3;
	[sflag:s7] =	ssyncset.done $0x0  }
0x59: {  	s10 =	sadd.s32 s14, s10;
	[sflag:s7] =	ssyncadd.s32 $0xFFFFC180  }
0x5a: {  	[tilespmem:s3], [sflag:$0x3] =	stream.linear.gather [hbm4b:s10+s3], $0x80, $0x38;
	[tilespmem:$0x1E900] =	vst v63  }
0x5b: {  	s12 =	simm.s32 $0x100  }
0x5c: {  	[spmem:s1] =	stream.indirect.scatter.add.f32 [tilespmem:s30], [sflag:$0x5], $0x80, s12, s2, $0xb8;
	[tilespmem:$0x1E900] =	vst v63  }
0x5d: {  	_ =	swait.ge [sflag:s29], $0x3E80  }
0x5e: {  	[sflag:s29] =	ssyncset.done $0x0  }
0x5f: {  	[sflag:s29] =	ssyncadd.s32 $0xFFFFC180  }
0x60: {  	s10 =	simm.s32 $0x180;
	_ =	swait.ge [sflag:s0], $0x80  }
0x61: {  	s13 =	sand.u32 $0x7C00, s10;
	[sflag:s0] =	ssyncset.done $0x0  }
0x62: {  	s15 =	sand.u32 $0x380, s10;
	s11 =	sadd.s32 s5, s13;
	[sflag:s0] =	ssyncadd.s32 $0xFFFFFF80  }
0x63: {  	[tilespmem:s30], [sflag:$0x1] =	stream.indirect.gather [hbm4b:s4+s2], $0x80, s3, s2, $0xb8;
	[tilespmem:$0x1E900] =	vst v63  }
0x64: {  	s11 =	sor.u32 s15, s11;
	_ =	swait.ge [sflag:s8], $0x3E80  }
0x65: {  	s11 =	sshrl.u32 s11, $0x3;
	[sflag:s8] =	ssyncset.done $0x0  }
0x66: {  	s11 =	sadd.s32 s14, s11;
	[sflag:s8] =	ssyncadd.s32 $0xFFFFC180  }
0x67: {  	[tilespmem:s31], [sflag:$0x4] =	stream.linear.gather [hbm4b:s11+s3], $0x80, $0x38;
	[tilespmem:$0x1E900] =	vst v63  }
0x68: {  	_ = 	snop  }
0x69: {  	[spmem:s1] =	stream.indirect.scatter.add.f32 [tilespmem:s6], [sflag:$0x5], $0x80, s10, s2, $0xb8;
	[tilespmem:$0x1E900] =	vst v63  }
0x6a: {  	s11 =	simm.s32 $0x280;
	_ =	swait.ge [sflag:s29], $0x3E80  }
.LBB2_4:
0x6b: {  	p0 =	sne.s32 s11, $0x2780;
	[sflag:s29] =	ssyncset.done $0x0;
	s10 =	sadd.s32 $0x100, s10  }
0x6c: {  	s12 =	smov.u32 s11;
	s11 =	sadd.s32 $0x100, s11;
	[sflag:s29] =	ssyncadd.s32 $0xFFFFC180  }
0x6d: {  	_ =	swait.ge [sflag:s28], $0x80  }
0x6e: {  	s13 =	sadd.s32 $0xFFFFFF80, s12;
	[sflag:s28] =	ssyncset.done $0x0  }
0x6f: {  	s15 =	sand.u32 $0x7C00, s13;
	s13 =	sand.u32 $0x300, s13;
	[sflag:s28] =	ssyncadd.s32 $0xFFFFFF80  }
0x70: {  	[tilespmem:s6], [sflag:$0x2] =	stream.indirect.gather [hbm4b:s4+s2], $0x80, s31, s2, $0xb8;
	[tilespmem:$0x1E900] =	vst v63  }
0x71: {  	s15 =	sadd.s32 s5, s15;
	_ =	swait.ge [sflag:s7], $0x3E80  }
0x72: {  	s13 =	sor.u32 s13, s15;
	[sflag:s7] =	ssyncset.done $0x0  }
0x73: {  	s13 =	sshrl.u32 s13, $0x3;
	[sflag:s7] =	ssyncadd.s32 $0xFFFFC180  }
0x74: {  	s15 =	sadd.s32 $0xFFFFFF80, s10;
	s13 =	sadd.s32 s14, s13  }
0x75: {  	[tilespmem:s3], [sflag:$0x3] =	stream.linear.gather [hbm4b:s13+s3], $0x80, $0x38;
	[tilespmem:$0x1E900] =	vst v63  }
0x76: {  	_ = 	snop  }
0x77: {  	[spmem:s1] =	stream.indirect.scatter.add.f32 [tilespmem:s30], [sflag:$0x5], $0x80, s15, s2, $0xb8;
	[tilespmem:$0x1E900] =	vst v63  }
0x78: {  	_ =	swait.ge [sflag:s29], $0x3E80  }
0x79: {  	[sflag:s29] =	ssyncset.done $0x0  }
0x7a: {  	[sflag:s29] =	ssyncadd.s32 $0xFFFFC180  }
0x7b: {  	_ =	swait.ge [sflag:s0], $0x80  }
0x7c: {  	s13 =	sand.u32 $0x7C00, s12;
	[sflag:s0] =	ssyncset.done $0x0  }
0x7d: {  	s12 =	sand.u32 $0x380, s12;
	s13 =	sadd.s32 s5, s13;
	[sflag:s0] =	ssyncadd.s32 $0xFFFFFF80  }
0x7e: {  	[tilespmem:s30], [sflag:$0x1] =	stream.indirect.gather [hbm4b:s4+s2], $0x80, s3, s2, $0xb8;
	[tilespmem:$0x1E900] =	vst v63  }
0x7f: {  	s12 =	sor.u32 s12, s13;
	_ =	swait.ge [sflag:s8], $0x3E80  }
0x80: {  	s12 =	sshrl.u32 s12, $0x3;
	[sflag:s8] =	ssyncset.done $0x0  }
.Ltmp1:
0x81: {  	s12 =	sadd.s32 s14, s12;
	[sflag:s8] =	ssyncadd.s32 $0xFFFFC180;
	(pc) =	sbr.rel @p0 .LBB2_4-.Ltmp1, $4  }
0x82: {  	[tilespmem:s31], [sflag:$0x4] =	stream.linear.gather [hbm4b:s12+s3], $0x80, $0x38;
	[tilespmem:$0x1E900] =	vst v63  }
0x83: {  	_ = 	snop  }
0x84: {  	[spmem:s1] =	stream.indirect.scatter.add.f32 [tilespmem:s6], [sflag:$0x5], $0x80, s10, s2, $0xb8;
	[tilespmem:$0x1E900] =	vst v63  }
0x85: {  	_ =	swait.ge [sflag:s29], $0x3E80  }
0x86: {  	[sflag:s29] =	ssyncset.done $0x0  }
0x87: {  	[sflag:s29] =	ssyncadd.s32 $0xFFFFC180  }
0x88: {  	_ =	swait.ge [sflag:s28], $0x80  }
0x89: {  	[sflag:s28] =	ssyncset.done $0x0  }
0x8a: {  	[sflag:s28] =	ssyncadd.s32 $0xFFFFFF80  }
0x8b: {  	[tilespmem:s6], [sflag:$0x2] =	stream.indirect.gather [hbm4b:s4+s2], $0x80, s31, s2, $0xb8;
	[tilespmem:$0x1E900] =	vst v63  }
0x8c: {  	_ =	swait.ge [sflag:s7], $0x3E80  }
0x8d: {  	[sflag:s7] =	ssyncset.done $0x0  }
0x8e: {  	s10 =	simm.s32 $0x2800;
	[sflag:s7] =	ssyncadd.s32 $0xFFFFC180  }
0x8f: {  	[spmem:s1] =	stream.indirect.scatter.add.f32 [tilespmem:s30], [sflag:$0x5], $0x80, s10, s2, $0xb8;
	[tilespmem:$0x1E900] =	vst v63  }
0x90: {  	_ =	swait.ge [sflag:s29], $0x3E80  }
0x91: {  	[sflag:s29] =	ssyncset.done $0x0  }
0x92: {  	[sflag:s29] =	ssyncadd.s32 $0xFFFFC180  }
0x93: {  	_ =	swait.ge [sflag:s8], $0x3E80  }
0x94: {  	[sflag:s8] =	ssyncset.done $0x0  }
0x95: {  	s11 =	simm.s32 $0x2880;
	[sflag:s8] =	ssyncadd.s32 $0xFFFFC180  }
0x96: {  	[spmem:s1] =	stream.indirect.scatter.add.f32 [tilespmem:s6], [sflag:$0x5], $0x80, s11, s2, $0xb8;
	[tilespmem:$0x1E900] =	vst v63  }
0x97: {  	_ =	swait.ge [sflag:s29], $0x3E80  }
0x98: {  	[sflag:s29] =	ssyncset.done $0x0  }
0x99: {  	s12 =	stileid.u32;
	[sflag:s29] =	ssyncadd.s32 $0xFFFFC180  }
0x9a: {  	s10 =	sshll.u32 s12, $0x6;
	[bflag:$0x0] =	sbarrier.arrive $0xFFFF  }
0x9b: {  	s10 =	sor.u32 $0x1C05, s10;
	s11 =	sshrl.u32 s18, $0x3;
	s12 =	rddreg [dreg:$0x3]  }
0x9c: {  	[hbm:s12], [sflag:s10] =	dma.local [spmem:s11], $0x500  }
0x9d: {  	_ =	swait.ge [sflag:s29], $0x500  }
0x9e: {  	[sflag:s29] =	ssyncset.done $0x0  }
0x9f: {  	s13 =	sshrl.u32 s19, $0x3;
	s15 =	rddreg [dreg:$0x4];
	[sflag:s29] =	ssyncadd.s32 $0xFFFFFB00  }
0xa0: {  	[hbm:s15], [sflag:s10] =	dma.local [spmem:s13], $0x500  }
0xa1: {  	_ =	swait.ge [sflag:s29], $0x500  }
0xa2: {  	[sflag:s29] =	ssyncset.done $0x0  }
0xa3: {  	s13 =	sshrl.u32 s20, $0x3;
	s15 =	rddreg [dreg:$0x5];
	[sflag:s29] =	ssyncadd.s32 $0xFFFFFB00  }
0xa4: {  	[hbm:s15], [sflag:s10] =	dma.local [spmem:s13], $0x500  }
0xa5: {  	_ =	swait.ge [sflag:s29], $0x500  }
0xa6: {  	[sflag:s29] =	ssyncset.done $0x0  }
0xa7: {  	s13 =	sshrl.u32 s21, $0x3;
	s15 =	rddreg [dreg:$0x6];
	[sflag:s29] =	ssyncadd.s32 $0xFFFFFB00  }
0xa8: {  	[hbm:s15], [sflag:s10] =	dma.local [spmem:s13], $0x500  }
0xa9: {  	_ =	swait.ge [sflag:s29], $0x500  }
0xaa: {  	[sflag:s29] =	ssyncset.done $0x0  }
0xab: {  	s13 =	sshrl.u32 s22, $0x3;
	s15 =	rddreg [dreg:$0x7];
	[sflag:s29] =	ssyncadd.s32 $0xFFFFFB00  }
0xac: {  	[hbm:s15], [sflag:s10] =	dma.local [spmem:s13], $0x500  }
0xad: {  	_ =	swait.ge [sflag:s29], $0x500  }
0xae: {  	[sflag:s29] =	ssyncset.done $0x0  }
0xaf: {  	s13 =	sshrl.u32 s23, $0x3;
	s15 =	rddreg [dreg:$0x8];
	[sflag:s29] =	ssyncadd.s32 $0xFFFFFB00  }
0xb0: {  	[hbm:s15], [sflag:s10] =	dma.local [spmem:s13], $0x500  }
0xb1: {  	_ =	swait.ge [sflag:s29], $0x500  }
0xb2: {  	[sflag:s29] =	ssyncset.done $0x0  }
0xb3: {  	s13 =	sshrl.u32 s24, $0x3;
	s15 =	rddreg [dreg:$0x9];
	[sflag:s29] =	ssyncadd.s32 $0xFFFFFB00  }
0xb4: {  	[hbm:s15], [sflag:s10] =	dma.local [spmem:s13], $0x500  }
0xb5: {  	s9 =	sadd.s32 $0x1, s9;
	_ =	swait.ge [sflag:s29], $0x500  }
0xb6: {  	p0 =	sne.s32 s9, s17;
	s13 =	sshrl.u32 s25, $0x3;
	[sflag:s29] =	ssyncset.done $0x0  }
.Ltmp2:
0xb7: {  	s15 =	rddreg [dreg:$0xa];
	[sflag:s29] =	ssyncadd.s32 $0xFFFFFB00;
	(pc) =	sbr.rel @p0 .LBB2_1-.Ltmp2, $4  }
0xb8: {  	[hbm:s15], [sflag:s10] =	dma.local [spmem:s13], $0x500  }
0xb9: {  	_ =	swait.ge [sflag:s29], $0x500  }
0xba: {  	[sflag:s29] =	ssyncset.done $0x0  }
0xbb: {  	[sflag:s29] =	ssyncadd.s32 $0xFFFFFB00  }
0xbc: {  	_ =	sfence.sel $0x180000  }
0xbd: {  	[bflag:$0x0] =	sbarrier.arrive $0xFFFF  }
0xbe: {  	_ =	strace $0x9000004A  }
0xbf: {  	s0 =	stileid.u32;
	[bflag:$0x2] =	sbarrier.arrive $0xFFFF  }
0xc0: {  	p0 =	sne.s32 s0, $0x0;
	s0 =	rddreg [dreg:$0x2]  }
0xc1: {  	s0 =	sadd.s32 @!p0 $0x100000, s0  }
0xc2: {  	[sflag:s0] =	ssyncadd.tile.s32 @!p0 $0x1;
	_ =	shalt  }
.Lfunc_end2:
_tile_overlayer_lowered:
.L_overlay_start_2:
0xc3: {  	(tag) =	ssettag $0x2  }
0xc4: {  	s0 =	rddreg [dreg:$0x0];
	s2 =	stileid.u32  }
0xc5: {  	s1 =	rddreg [dreg:$0x1];
	p0 =	sne.s32 s2, $0x0  }
0xc6: {  	s3 =	rddreg [dreg:$0x2];
	[bflag:$0x3] =	sbarrier.arrive $0xFFFF;
	s2 =	simm.s32 @!p0 $0x1C05  }
0xc7: {  	[timem:s3], [sflag:s2] =	dma.local @!p0 [hbm:s0], s1  }
0xc8: {  	s0 =	simm.s32 @!p0 $0x5  }
0xc9: {  	_ =	swait.ge @!p0 [sflag:s0], s1  }
0xca: {  	s1 =	ssub.s32 @!p0 $0x0, s1;
	[sflag:s0] =	ssyncset.done @!p0 $0x0  }
0xcb: {  	[sflag:s0] =	ssyncadd.s32 @!p0 s1  }
0xcc: {  	[bflag:$0x3] =	sbarrier.arrive $0xFFFF  }
0xcd: {  	_ =	shalt  }

</sc_bundles>
